<compile_context>
chip_gen: v7x
topology: tpu7x:2x2x1
jax: 0.10.2.dev20260603
libtpu: 0.0.44.dev20260713+nightly
codegen_flags: <defaults>
</compile_context>

<pallas_src>
import functools

import jax
import jax.numpy as jnp
from jax import lax
from jax.experimental import pallas as pl
from jax.experimental.pallas import tpu as pltpu
from jax.experimental.pallas import tpu_sc as plsc

_VOCAB = 1000
_VVOCAB = 128
_EMB = 64
_HID = 512
_B = 1024
_T = 20
_TP = 24
_DB = 16
_CHUNK = 128
_EMBP = 128
_WAVE = 5


def _sc_gather_rows(table, idx):
    info = plsc.get_sparse_core_info()
    nc, ns = info.num_cores, info.num_subcores
    nw = nc * ns
    k = idx.shape[1]
    mesh = plsc.VectorSubcoreMesh(core_axis_name="c", subcore_axis_name="s")

    @functools.partial(
        pl.kernel,
        mesh=mesh,
        out_type=jax.ShapeDtypeStruct((nw, k, _CHUNK, _EMBP), jnp.float32),
        scratch_types=[
            pltpu.VMEM((k, _CHUNK), jnp.int32),
            pltpu.VMEM((_WAVE, _CHUNK, _EMBP), jnp.float32),
            pltpu.SemaphoreType.DMA,
        ],
    )
    def run(table_hbm, idx_hbm, out_hbm, idx_v, rows_v, sem):
        wid = lax.axis_index("s") * nc + lax.axis_index("c")
        pltpu.sync_copy(idx_hbm.at[wid], idx_v)
        for w in range(k // _WAVE):
            cps = [
                pltpu.async_copy(
                    table_hbm.at[idx_v.at[w * _WAVE + j]], rows_v.at[j], sem)
                for j in range(_WAVE)
            ]
            for cp in cps:
                cp.wait()
            pltpu.sync_copy(rows_v, out_hbm.at[wid].at[pl.ds(w * _WAVE, _WAVE)])

    return run(table, idx)


_NSPLIT = 2


def _sigmoid(x):
    return jnp.tanh(x * 0.5) * 0.5 + 0.5


def _fused_body(g_ref, wih_ref, whh_ref, bg_ref, wd_ref, bd_ref, wv_ref,
                bv_ref, out_ref, outv_ref, ht_ref, ct_ref, h_sc, c_sc):
    t = pl.program_id(0)
    nt = (((1,), (1,)), ((), ()))

    @pl.when(t == 0)
    def _():
        h_sc[...] = jnp.zeros_like(h_sc)
        c_sc[...] = jnp.zeros_like(c_sc)

    bs = _B // _NSPLIT
    for s in range(_NSPLIT):
        r0, r1 = s * bs, (s + 1) * bs
        x = (g_ref[0, 0, r0:r1, :] + g_ref[1, 0, r0:r1, :]).astype(jnp.bfloat16)
        h = h_sc[r0:r1, :]
        c = c_sc[r0:r1, :]
        gates = (lax.dot_general(x, wih_ref[...], nt,
                                 preferred_element_type=jnp.float32)
                 + lax.dot_general(h, whh_ref[...], nt,
                                   preferred_element_type=jnp.float32)
                 + bg_ref[...])
        gif = _sigmoid(gates[:, :2 * _HID])
        gg = jnp.tanh(gates[:, 2 * _HID:3 * _HID])
        go = _sigmoid(gates[:, 3 * _HID:])
        c2 = gif[:, _HID:] * c + gif[:, :_HID] * gg
        h2 = go * jnp.tanh(c2)
        h2b = h2.astype(jnp.bfloat16)
        h_sc[r0:r1, :] = h2b
        c_sc[r0:r1, :] = c2

        @pl.when(t == _T - 1)
        def _(h2=h2, c2=c2, r0=r0, r1=r1):
            ht_ref[0, r0:r1, :] = h2
            ct_ref[0, r0:r1, :] = c2

    hb = h_sc[...]
    logits = lax.dot_general(wd_ref[...], hb, nt,
                             preferred_element_type=jnp.float32) + bd_ref[...]
    sh = logits - jnp.max(logits, axis=0, keepdims=True)
    out_ref[0] = sh - jnp.log(jnp.sum(jnp.exp(sh), axis=0, keepdims=True))
    vlog = lax.dot_general(wv_ref[...], hb, nt,
                           preferred_element_type=jnp.float32) + bv_ref[...]
    vsh = vlog - jnp.max(vlog, axis=0, keepdims=True)
    outv_ref[0] = vsh - jnp.log(jnp.sum(jnp.exp(vsh), axis=0, keepdims=True))


def _fused_call(g, wih, whh, bg, wd, bd, wv, bv):
    return pl.pallas_call(
        _fused_body,
        grid=(_T,),
        in_specs=[
            pl.BlockSpec((2, 1, _B, _EMBP), lambda t: (0, t, 0, 0)),
            pl.BlockSpec((4 * _HID, _EMBP), lambda t: (0, 0)),
            pl.BlockSpec((4 * _HID, _HID), lambda t: (0, 0)),
            pl.BlockSpec((1, 4 * _HID), lambda t: (0, 0)),
            pl.BlockSpec((_VOCAB, _HID), lambda t: (0, 0)),
            pl.BlockSpec((_VOCAB, 1), lambda t: (0, 0)),
            pl.BlockSpec((_VVOCAB, _HID), lambda t: (0, 0)),
            pl.BlockSpec((_VVOCAB, 1), lambda t: (0, 0)),
        ],
        out_specs=[
            pl.BlockSpec((1, _VOCAB, _B), lambda t: (t, 0, 0)),
            pl.BlockSpec((1, _VVOCAB, _B), lambda t: (t, 0, 0)),
            pl.BlockSpec((1, _B, _HID), lambda t: (0, 0, 0)),
            pl.BlockSpec((1, _B, _HID), lambda t: (0, 0, 0)),
        ],
        out_shape=[
            jax.ShapeDtypeStruct((_T, _VOCAB, _B), jnp.float32),
            jax.ShapeDtypeStruct((_T, _VVOCAB, _B), jnp.float32),
            jax.ShapeDtypeStruct((1, _B, _HID), jnp.float32),
            jax.ShapeDtypeStruct((1, _B, _HID), jnp.float32),
        ],
        scratch_shapes=[
            pltpu.VMEM((_B, _HID), jnp.bfloat16),
            pltpu.VMEM((_B, _HID), jnp.float32),
        ],
        compiler_params=pltpu.CompilerParams(
            dimension_semantics=("arbitrary",),
            vmem_limit_bytes=100 * 1024 * 1024,
        ),
    )(g, wih, whh, bg, wd, bd, wv, bv)


def kernel(x1, x2, encoder, encoder_vel, W_ih, W_hh, b_ih, b_hh, W_dec, b_dec,
           W_dec_vel, b_dec_vel):
    info = plsc.get_sparse_core_info()
    nw = info.num_cores * info.num_subcores
    idx = jnp.concatenate([
        jnp.swapaxes(x1, 0, 1).reshape(-1),
        jnp.swapaxes(x2, 0, 1).reshape(-1),
    ]).astype(jnp.int32)
    idx3 = idx.reshape(nw, -1, _CHUNK)
    table_p = jnp.pad(encoder, ((0, 0), (0, _EMBP - _EMB)))
    rows = _sc_gather_rows(table_p, idx3)
    g = rows.reshape(2, _T, _B, _EMBP)

    bg = (b_ih + b_hh).reshape(1, 4 * _HID)
    bf16 = jnp.bfloat16
    wih_p = jnp.pad(W_ih, ((0, 0), (0, _EMBP - _EMB))).astype(bf16)
    outT, outvT, ht, ct = _fused_call(
        g, wih_p, W_hh.astype(bf16), bg,
        W_dec.astype(bf16), b_dec.reshape(_VOCAB, 1),
        W_dec_vel.astype(bf16), b_dec_vel.reshape(_VVOCAB, 1))
    out = jnp.transpose(outT, (2, 0, 1))
    outv = jnp.transpose(outvT, (2, 0, 1))
    return (out, outv, (ht, ct))

# --- scband reference (transcript-rebuilt; emitter-appended) ---
"""Pipeline reference for scband-lstmt-2embeddings-72275709657483 (READ-ONLY COPY).

The authoritative reference and input builder live on the scoring server;
editing this copy changes nothing except your own understanding.
"""

import jax, jax.numpy as jnp
import numpy as np

VOCAB = 1000
VVOCAB = 128
EMB = 64
HID = 512
B = 1024
T = 20


def setup_inputs(seed: int = 0) -> dict:
    key = jax.random.key(seed)
    ks = jax.random.split(key, 12)
    x1 = jax.random.randint(ks[0], (B, T), 0, VOCAB)
    x2 = jax.random.randint(ks[1], (B, T), 0, VVOCAB)
    encoder = jax.random.normal(ks[2], (VOCAB, EMB), dtype=jnp.float32) * 0.02
    encoder_vel = jax.random.normal(ks[3], (VVOCAB, EMB), dtype=jnp.float32) * 0.02
    W_ih = jax.random.normal(ks[4], (4 * HID, EMB), dtype=jnp.float32) * 0.04
    W_hh = jax.random.normal(ks[5], (4 * HID, HID), dtype=jnp.float32) * 0.04
    b_ih = jnp.zeros((4 * HID,), dtype=jnp.float32)
    b_hh = jnp.zeros((4 * HID,), dtype=jnp.float32)
    W_dec = jax.random.normal(ks[6], (VOCAB, HID), dtype=jnp.float32) * 0.04
    b_dec = jnp.zeros((VOCAB,), dtype=jnp.float32)
    W_dec_vel = jax.random.normal(ks[7], (VVOCAB, HID), dtype=jnp.float32) * 0.04
    b_dec_vel = jnp.zeros((VVOCAB,), dtype=jnp.float32)
    return {"x1": x1, "x2": x2, "encoder": encoder, "encoder_vel": encoder_vel,
            "W_ih": W_ih, "W_hh": W_hh, "b_ih": b_ih, "b_hh": b_hh,
            "W_dec": W_dec, "b_dec": b_dec, "W_dec_vel": W_dec_vel, "b_dec_vel": b_dec_vel}


def _lstm(emb, W_ih, W_hh, b_ih, b_hh):
    Bb, Tt, Dd = emb.shape
    Hh = W_hh.shape[1]

    def step(carry, x_t):
        h, c = carry
        gates = x_t @ W_ih.T + b_ih + h @ W_hh.T + b_hh
        i, f, g, o = jnp.split(gates, 4, axis=-1)
        i = jax.nn.sigmoid(i)
        f = jax.nn.sigmoid(f)
        g = jnp.tanh(g)
        o = jax.nn.sigmoid(o)
        c = f * c + i * g
        h = o * jnp.tanh(c)
        return (h, c), h

    h0 = jnp.zeros((Bb, Hh), dtype=emb.dtype)
    c0 = jnp.zeros((Bb, Hh), dtype=emb.dtype)
    (hT, cT), hs = jax.lax.scan(step, (h0, c0), jnp.swapaxes(emb, 0, 1))
    ht = jnp.swapaxes(hs, 0, 1)
    return ht, (hT[None, :, :], cT[None, :, :])


def reference(x1, x2, encoder, encoder_vel, W_ih, W_hh, b_ih, b_hh, W_dec, b_dec, W_dec_vel, b_dec_vel):
    # Faithful to the original forward: BOTH x1 and x2 go through self.encoder
    # (encoder_vel is a parameter but unused in forward).
    embeds = jnp.take(encoder, x1, axis=0)
    embeds_vel = jnp.take(encoder, x2, axis=0)
    merged = embeds + embeds_vel
    # Dropout in eval mode: identity
    ht, state = _lstm(merged, W_ih, W_hh, b_ih, b_hh)
    linear_out = ht @ W_dec.T + b_dec
    linear_out_vel = ht @ W_dec_vel.T + b_dec_vel
    output = jax.nn.log_softmax(linear_out, axis=-1)
    output_vel = jax.nn.log_softmax(linear_out_vel, axis=-1)
    return (output, output_vel, state)

if __name__ == "__main__":
    import jax
    _d = setup_inputs()
    print(jax.jit(kernel)(*tuple(_d.values())))

</pallas_src>

<mosaic_0001>
#map = affine_map<(d0, d1) -> (0, 0)>
#map1 = affine_map<(d0, d1) -> (0, 0, 0)>
#map2 = affine_map<(d0, d1) -> (0, 0, 0, 0)>
module attributes {stable_mosaic.version = 14 : i64} {
  func.func @run(%arg0: i32, %arg1: i32, %arg2: memref<1000x128xf32, #tpu.memory_space<hbm>>, %arg3: memref<32x10x128xi32, #tpu.memory_space<hbm>>, %arg4: memref<32x10x128x128xf32, #tpu.memory_space<hbm>>, %arg5: memref<10x128xi32, #tpu.memory_space<vmem>>, %arg6: memref<5x128x128xf32, #tpu.memory_space<vmem>>, %arg7: memref<!tpu.dma_semaphore, #tpu.memory_space<semaphore_mem>>) attributes {dimension_semantics = [#tpu.dimension_semantics<core_parallel>, #tpu.dimension_semantics<subcore_parallel>], iteration_bounds = array<i64: 2, 16>, scalar_prefetch = 0 : i64, scratch_operands = 3 : i64, tpu.core_type = #tpu.core_type<sc_vector_subcore>, window_params = [{transform_indices = #map}, {transform_indices = #map1}, {transform_indices = #map2}]} {
    %mul3A = arith.constant 2 : i32
    %mul3A_0 = arith.muli %arg1, %mul3A : i32
    %add3A = arith.addi %mul3A_0, %arg0 : i32
    "tpu.region"() ({
      %run_scoped3A = tpu.sem_alloc : memref<!tpu.dma_semaphore, #tpu.memory_space<semaphore_mem>>
      %dma_start3A_239 = arith.constant 0 : i32
      %dma_start3A_240 = arith.constant 0 : i32
      %dma_start3A_241 = tpu.memref_slice %arg3[%add3A, %dma_start3A_239, %dma_start3A_240] : memref<32x10x128xi32, #tpu.memory_space<hbm>> -> memref<1x10x128xi32, #tpu.memory_space<hbm>>
      %dma_start3A_242 = tpu.memref_squeeze %dma_start3A_241 : memref<1x10x128xi32, #tpu.memory_space<hbm>> -> memref<10x128xi32, #tpu.memory_space<hbm>>
      %dma_start3A_243 = arith.constant 0 : i32
      %dma_start3A_244 = arith.constant 0 : i32
      %dma_start3A_245 = tpu.memref_slice %arg3[%add3A, %dma_start3A_243, %dma_start3A_244] : memref<32x10x128xi32, #tpu.memory_space<hbm>> -> memref<1x10x128xi32, #tpu.memory_space<hbm>>
      %dma_start3A_246 = tpu.memref_squeeze %dma_start3A_245 : memref<1x10x128xi32, #tpu.memory_space<hbm>> -> memref<10x128xi32, #tpu.memory_space<hbm>>
      tpu.enqueue_dma source(%dma_start3A_246 : memref<10x128xi32, #tpu.memory_space<hbm>>) target(%arg5 : memref<10x128xi32, #tpu.memory_space<vmem>>) target_semaphore(%run_scoped3A : memref<!tpu.dma_semaphore, #tpu.memory_space<semaphore_mem>>)
      %dma_wait3A_247 = arith.constant 0 : i32
      %dma_wait3A_248 = arith.constant 0 : i32
      %dma_wait3A_249 = tpu.memref_slice %arg3[%add3A, %dma_wait3A_247, %dma_wait3A_248] : memref<32x10x128xi32, #tpu.memory_space<hbm>> -> memref<1x10x128xi32, #tpu.memory_space<hbm>>
      %dma_wait3A_250 = tpu.memref_squeeze %dma_wait3A_249 : memref<1x10x128xi32, #tpu.memory_space<hbm>> -> memref<10x128xi32, #tpu.memory_space<hbm>>
      %dma_wait3A_251 = arith.constant 0 : i32
      %dma_wait3A_252 = arith.constant 0 : i32
      %dma_wait3A_253 = tpu.memref_slice %arg3[%add3A, %dma_wait3A_251, %dma_wait3A_252] : memref<32x10x128xi32, #tpu.memory_space<hbm>> -> memref<1x10x128xi32, #tpu.memory_space<hbm>>
      %dma_wait3A_254 = tpu.memref_squeeze %dma_wait3A_253 : memref<1x10x128xi32, #tpu.memory_space<hbm>> -> memref<10x128xi32, #tpu.memory_space<hbm>>
      tpu.wait_dma2 semaphore(%run_scoped3A : memref<!tpu.dma_semaphore, #tpu.memory_space<semaphore_mem>>) src(%dma_wait3A_254 : memref<10x128xi32, #tpu.memory_space<hbm>>) dst(%arg5 : memref<10x128xi32, #tpu.memory_space<vmem>>)
      tpu.yield
    }) : () -> ()
    %dma_start3A = arith.constant 0 : i32
    %dma_start3A_1 = arith.constant 0 : i32
    %dma_start3A_2 = arith.constant 0 : i32
    %dma_start3A_3 = arith.constant 0 : i32
    %dma_start3A_4 = tpu.memref_slice %arg6[%dma_start3A_1, %dma_start3A_2, %dma_start3A_3] : memref<5x128x128xf32, #tpu.memory_space<vmem>> -> memref<1x128x128xf32, #tpu.memory_space<vmem>>
    %dma_start3A_5 = tpu.memref_squeeze %dma_start3A_4 : memref<1x128x128xf32, #tpu.memory_space<vmem>> -> memref<128x128xf32, #tpu.memory_space<vmem>>
    %dma_start3A_6 = arith.constant 0 : i32
    %dma_start3A_7 = tpu.memref_slice %arg5[%dma_start3A, %dma_start3A_6] : memref<10x128xi32, #tpu.memory_space<vmem>> -> memref<1x128xi32, #tpu.memory_space<vmem>>
    %dma_start3A_8 = tpu.memref_squeeze %dma_start3A_7 : memref<1x128xi32, #tpu.memory_space<vmem>> -> memref<128xi32, #tpu.memory_space<vmem>>
    %dma_start3A_9 = arith.constant 0 : i32
    %dma_start3A_10 = arith.constant 0 : i32
    %dma_start3A_11 = tpu.memref_slice %arg2[%dma_start3A_9, %dma_start3A_10] : memref<1000x128xf32, #tpu.memory_space<hbm>> -> memref<1000x128xf32, #tpu.memory_space<hbm>>
    tpu.enqueue_indirect_dma source(%dma_start3A_11 : memref<1000x128xf32, #tpu.memory_space<hbm>>) target(%dma_start3A_5 : memref<128x128xf32, #tpu.memory_space<vmem>>) offsets(%dma_start3A_8 : memref<128xi32, #tpu.memory_space<vmem>>) semaphore(%arg7 : memref<!tpu.dma_semaphore, #tpu.memory_space<semaphore_mem>>)
    %dma_start3A_12 = arith.constant 1 : i32
    %dma_start3A_13 = arith.constant 1 : i32
    %dma_start3A_14 = arith.constant 0 : i32
    %dma_start3A_15 = arith.constant 0 : i32
    %dma_start3A_16 = tpu.memref_slice %arg6[%dma_start3A_13, %dma_start3A_14, %dma_start3A_15] : memref<5x128x128xf32, #tpu.memory_space<vmem>> -> memref<1x128x128xf32, #tpu.memory_space<vmem>>
    %dma_start3A_17 = tpu.memref_squeeze %dma_start3A_16 : memref<1x128x128xf32, #tpu.memory_space<vmem>> -> memref<128x128xf32, #tpu.memory_space<vmem>>
    %dma_start3A_18 = arith.constant 0 : i32
    %dma_start3A_19 = tpu.memref_slice %arg5[%dma_start3A_12, %dma_start3A_18] : memref<10x128xi32, #tpu.memory_space<vmem>> -> memref<1x128xi32, #tpu.memory_space<vmem>>
    %dma_start3A_20 = tpu.memref_squeeze %dma_start3A_19 : memref<1x128xi32, #tpu.memory_space<vmem>> -> memref<128xi32, #tpu.memory_space<vmem>>
    %dma_start3A_21 = arith.constant 0 : i32
    %dma_start3A_22 = arith.constant 0 : i32
    %dma_start3A_23 = tpu.memref_slice %arg2[%dma_start3A_21, %dma_start3A_22] : memref<1000x128xf32, #tpu.memory_space<hbm>> -> memref<1000x128xf32, #tpu.memory_space<hbm>>
    tpu.enqueue_indirect_dma source(%dma_start3A_23 : memref<1000x128xf32, #tpu.memory_space<hbm>>) target(%dma_start3A_17 : memref<128x128xf32, #tpu.memory_space<vmem>>) offsets(%dma_start3A_20 : memref<128xi32, #tpu.memory_space<vmem>>) semaphore(%arg7 : memref<!tpu.dma_semaphore, #tpu.memory_space<semaphore_mem>>)
    %dma_start3A_24 = arith.constant 2 : i32
    %dma_start3A_25 = arith.constant 2 : i32
    %dma_start3A_26 = arith.constant 0 : i32
    %dma_start3A_27 = arith.constant 0 : i32
    %dma_start3A_28 = tpu.memref_slice %arg6[%dma_start3A_25, %dma_start3A_26, %dma_start3A_27] : memref<5x128x128xf32, #tpu.memory_space<vmem>> -> memref<1x128x128xf32, #tpu.memory_space<vmem>>
    %dma_start3A_29 = tpu.memref_squeeze %dma_start3A_28 : memref<1x128x128xf32, #tpu.memory_space<vmem>> -> memref<128x128xf32, #tpu.memory_space<vmem>>
    %dma_start3A_30 = arith.constant 0 : i32
    %dma_start3A_31 = tpu.memref_slice %arg5[%dma_start3A_24, %dma_start3A_30] : memref<10x128xi32, #tpu.memory_space<vmem>> -> memref<1x128xi32, #tpu.memory_space<vmem>>
    %dma_start3A_32 = tpu.memref_squeeze %dma_start3A_31 : memref<1x128xi32, #tpu.memory_space<vmem>> -> memref<128xi32, #tpu.memory_space<vmem>>
    %dma_start3A_33 = arith.constant 0 : i32
    %dma_start3A_34 = arith.constant 0 : i32
    %dma_start3A_35 = tpu.memref_slice %arg2[%dma_start3A_33, %dma_start3A_34] : memref<1000x128xf32, #tpu.memory_space<hbm>> -> memref<1000x128xf32, #tpu.memory_space<hbm>>
    tpu.enqueue_indirect_dma source(%dma_start3A_35 : memref<1000x128xf32, #tpu.memory_space<hbm>>) target(%dma_start3A_29 : memref<128x128xf32, #tpu.memory_space<vmem>>) offsets(%dma_start3A_32 : memref<128xi32, #tpu.memory_space<vmem>>) semaphore(%arg7 : memref<!tpu.dma_semaphore, #tpu.memory_space<semaphore_mem>>)
    %dma_start3A_36 = arith.constant 3 : i32
    %dma_start3A_37 = arith.constant 3 : i32
    %dma_start3A_38 = arith.constant 0 : i32
    %dma_start3A_39 = arith.constant 0 : i32
    %dma_start3A_40 = tpu.memref_slice %arg6[%dma_start3A_37, %dma_start3A_38, %dma_start3A_39] : memref<5x128x128xf32, #tpu.memory_space<vmem>> -> memref<1x128x128xf32, #tpu.memory_space<vmem>>
    %dma_start3A_41 = tpu.memref_squeeze %dma_start3A_40 : memref<1x128x128xf32, #tpu.memory_space<vmem>> -> memref<128x128xf32, #tpu.memory_space<vmem>>
    %dma_start3A_42 = arith.constant 0 : i32
    %dma_start3A_43 = tpu.memref_slice %arg5[%dma_start3A_36, %dma_start3A_42] : memref<10x128xi32, #tpu.memory_space<vmem>> -> memref<1x128xi32, #tpu.memory_space<vmem>>
    %dma_start3A_44 = tpu.memref_squeeze %dma_start3A_43 : memref<1x128xi32, #tpu.memory_space<vmem>> -> memref<128xi32, #tpu.memory_space<vmem>>
    %dma_start3A_45 = arith.constant 0 : i32
    %dma_start3A_46 = arith.constant 0 : i32
    %dma_start3A_47 = tpu.memref_slice %arg2[%dma_start3A_45, %dma_start3A_46] : memref<1000x128xf32, #tpu.memory_space<hbm>> -> memref<1000x128xf32, #tpu.memory_space<hbm>>
    tpu.enqueue_indirect_dma source(%dma_start3A_47 : memref<1000x128xf32, #tpu.memory_space<hbm>>) target(%dma_start3A_41 : memref<128x128xf32, #tpu.memory_space<vmem>>) offsets(%dma_start3A_44 : memref<128xi32, #tpu.memory_space<vmem>>) semaphore(%arg7 : memref<!tpu.dma_semaphore, #tpu.memory_space<semaphore_mem>>)
    %dma_start3A_48 = arith.constant 4 : i32
    %dma_start3A_49 = arith.constant 4 : i32
    %dma_start3A_50 = arith.constant 0 : i32
    %dma_start3A_51 = arith.constant 0 : i32
    %dma_start3A_52 = tpu.memref_slice %arg6[%dma_start3A_49, %dma_start3A_50, %dma_start3A_51] : memref<5x128x128xf32, #tpu.memory_space<vmem>> -> memref<1x128x128xf32, #tpu.memory_space<vmem>>
    %dma_start3A_53 = tpu.memref_squeeze %dma_start3A_52 : memref<1x128x128xf32, #tpu.memory_space<vmem>> -> memref<128x128xf32, #tpu.memory_space<vmem>>
    %dma_start3A_54 = arith.constant 0 : i32
    %dma_start3A_55 = tpu.memref_slice %arg5[%dma_start3A_48, %dma_start3A_54] : memref<10x128xi32, #tpu.memory_space<vmem>> -> memref<1x128xi32, #tpu.memory_space<vmem>>
    %dma_start3A_56 = tpu.memref_squeeze %dma_start3A_55 : memref<1x128xi32, #tpu.memory_space<vmem>> -> memref<128xi32, #tpu.memory_space<vmem>>
    %dma_start3A_57 = arith.constant 0 : i32
    %dma_start3A_58 = arith.constant 0 : i32
    %dma_start3A_59 = tpu.memref_slice %arg2[%dma_start3A_57, %dma_start3A_58] : memref<1000x128xf32, #tpu.memory_space<hbm>> -> memref<1000x128xf32, #tpu.memory_space<hbm>>
    tpu.enqueue_indirect_dma source(%dma_start3A_59 : memref<1000x128xf32, #tpu.memory_space<hbm>>) target(%dma_start3A_53 : memref<128x128xf32, #tpu.memory_space<vmem>>) offsets(%dma_start3A_56 : memref<128xi32, #tpu.memory_space<vmem>>) semaphore(%arg7 : memref<!tpu.dma_semaphore, #tpu.memory_space<semaphore_mem>>)
    %dma_wait3A = arith.constant 0 : i32
    %dma_wait3A_60 = arith.constant 0 : i32
    %dma_wait3A_61 = arith.constant 0 : i32
    %dma_wait3A_62 = arith.constant 0 : i32
    %dma_wait3A_63 = tpu.memref_slice %arg6[%dma_wait3A_60, %dma_wait3A_61, %dma_wait3A_62] : memref<5x128x128xf32, #tpu.memory_space<vmem>> -> memref<1x128x128xf32, #tpu.memory_space<vmem>>
    %dma_wait3A_64 = tpu.memref_squeeze %dma_wait3A_63 : memref<1x128x128xf32, #tpu.memory_space<vmem>> -> memref<128x128xf32, #tpu.memory_space<vmem>>
    %dma_wait3A_65 = arith.constant 0 : i32
    %dma_wait3A_66 = tpu.memref_slice %arg5[%dma_wait3A, %dma_wait3A_65] : memref<10x128xi32, #tpu.memory_space<vmem>> -> memref<1x128xi32, #tpu.memory_space<vmem>>
    %dma_wait3A_67 = tpu.memref_squeeze %dma_wait3A_66 : memref<1x128xi32, #tpu.memory_space<vmem>> -> memref<128xi32, #tpu.memory_space<vmem>>
    %dma_wait3A_68 = arith.constant 0 : i32
    %dma_wait3A_69 = arith.constant 0 : i32
    %dma_wait3A_70 = tpu.memref_slice %arg2[%dma_wait3A_68, %dma_wait3A_69] : memref<1000x128xf32, #tpu.memory_space<hbm>> -> memref<1000x128xf32, #tpu.memory_space<hbm>>
    tpu.wait_indirect_dma semaphore(%arg7 : memref<!tpu.dma_semaphore, #tpu.memory_space<semaphore_mem>>) src(%dma_wait3A_70 : memref<1000x128xf32, #tpu.memory_space<hbm>>) dst(%dma_wait3A_64 : memref<128x128xf32, #tpu.memory_space<vmem>>)
    %dma_wait3A_71 = arith.constant 1 : i32
    %dma_wait3A_72 = arith.constant 1 : i32
    %dma_wait3A_73 = arith.constant 0 : i32
    %dma_wait3A_74 = arith.constant 0 : i32
    %dma_wait3A_75 = tpu.memref_slice %arg6[%dma_wait3A_72, %dma_wait3A_73, %dma_wait3A_74] : memref<5x128x128xf32, #tpu.memory_space<vmem>> -> memref<1x128x128xf32, #tpu.memory_space<vmem>>
    %dma_wait3A_76 = tpu.memref_squeeze %dma_wait3A_75 : memref<1x128x128xf32, #tpu.memory_space<vmem>> -> memref<128x128xf32, #tpu.memory_space<vmem>>
    %dma_wait3A_77 = arith.constant 0 : i32
    %dma_wait3A_78 = tpu.memref_slice %arg5[%dma_wait3A_71, %dma_wait3A_77] : memref<10x128xi32, #tpu.memory_space<vmem>> -> memref<1x128xi32, #tpu.memory_space<vmem>>
    %dma_wait3A_79 = tpu.memref_squeeze %dma_wait3A_78 : memref<1x128xi32, #tpu.memory_space<vmem>> -> memref<128xi32, #tpu.memory_space<vmem>>
    %dma_wait3A_80 = arith.constant 0 : i32
    %dma_wait3A_81 = arith.constant 0 : i32
    %dma_wait3A_82 = tpu.memref_slice %arg2[%dma_wait3A_80, %dma_wait3A_81] : memref<1000x128xf32, #tpu.memory_space<hbm>> -> memref<1000x128xf32, #tpu.memory_space<hbm>>
    tpu.wait_indirect_dma semaphore(%arg7 : memref<!tpu.dma_semaphore, #tpu.memory_space<semaphore_mem>>) src(%dma_wait3A_82 : memref<1000x128xf32, #tpu.memory_space<hbm>>) dst(%dma_wait3A_76 : memref<128x128xf32, #tpu.memory_space<vmem>>)
    %dma_wait3A_83 = arith.constant 2 : i32
    %dma_wait3A_84 = arith.constant 2 : i32
    %dma_wait3A_85 = arith.constant 0 : i32
    %dma_wait3A_86 = arith.constant 0 : i32
    %dma_wait3A_87 = tpu.memref_slice %arg6[%dma_wait3A_84, %dma_wait3A_85, %dma_wait3A_86] : memref<5x128x128xf32, #tpu.memory_space<vmem>> -> memref<1x128x128xf32, #tpu.memory_space<vmem>>
    %dma_wait3A_88 = tpu.memref_squeeze %dma_wait3A_87 : memref<1x128x128xf32, #tpu.memory_space<vmem>> -> memref<128x128xf32, #tpu.memory_space<vmem>>
    %dma_wait3A_89 = arith.constant 0 : i32
    %dma_wait3A_90 = tpu.memref_slice %arg5[%dma_wait3A_83, %dma_wait3A_89] : memref<10x128xi32, #tpu.memory_space<vmem>> -> memref<1x128xi32, #tpu.memory_space<vmem>>
    %dma_wait3A_91 = tpu.memref_squeeze %dma_wait3A_90 : memref<1x128xi32, #tpu.memory_space<vmem>> -> memref<128xi32, #tpu.memory_space<vmem>>
    %dma_wait3A_92 = arith.constant 0 : i32
    %dma_wait3A_93 = arith.constant 0 : i32
    %dma_wait3A_94 = tpu.memref_slice %arg2[%dma_wait3A_92, %dma_wait3A_93] : memref<1000x128xf32, #tpu.memory_space<hbm>> -> memref<1000x128xf32, #tpu.memory_space<hbm>>
    tpu.wait_indirect_dma semaphore(%arg7 : memref<!tpu.dma_semaphore, #tpu.memory_space<semaphore_mem>>) src(%dma_wait3A_94 : memref<1000x128xf32, #tpu.memory_space<hbm>>) dst(%dma_wait3A_88 : memref<128x128xf32, #tpu.memory_space<vmem>>)
    %dma_wait3A_95 = arith.constant 3 : i32
    %dma_wait3A_96 = arith.constant 3 : i32
    %dma_wait3A_97 = arith.constant 0 : i32
    %dma_wait3A_98 = arith.constant 0 : i32
    %dma_wait3A_99 = tpu.memref_slice %arg6[%dma_wait3A_96, %dma_wait3A_97, %dma_wait3A_98] : memref<5x128x128xf32, #tpu.memory_space<vmem>> -> memref<1x128x128xf32, #tpu.memory_space<vmem>>
    %dma_wait3A_100 = tpu.memref_squeeze %dma_wait3A_99 : memref<1x128x128xf32, #tpu.memory_space<vmem>> -> memref<128x128xf32, #tpu.memory_space<vmem>>
    %dma_wait3A_101 = arith.constant 0 : i32
    %dma_wait3A_102 = tpu.memref_slice %arg5[%dma_wait3A_95, %dma_wait3A_101] : memref<10x128xi32, #tpu.memory_space<vmem>> -> memref<1x128xi32, #tpu.memory_space<vmem>>
    %dma_wait3A_103 = tpu.memref_squeeze %dma_wait3A_102 : memref<1x128xi32, #tpu.memory_space<vmem>> -> memref<128xi32, #tpu.memory_space<vmem>>
    %dma_wait3A_104 = arith.constant 0 : i32
    %dma_wait3A_105 = arith.constant 0 : i32
    %dma_wait3A_106 = tpu.memref_slice %arg2[%dma_wait3A_104, %dma_wait3A_105] : memref<1000x128xf32, #tpu.memory_space<hbm>> -> memref<1000x128xf32, #tpu.memory_space<hbm>>
    tpu.wait_indirect_dma semaphore(%arg7 : memref<!tpu.dma_semaphore, #tpu.memory_space<semaphore_mem>>) src(%dma_wait3A_106 : memref<1000x128xf32, #tpu.memory_space<hbm>>) dst(%dma_wait3A_100 : memref<128x128xf32, #tpu.memory_space<vmem>>)
    %dma_wait3A_107 = arith.constant 4 : i32
    %dma_wait3A_108 = arith.constant 4 : i32
    %dma_wait3A_109 = arith.constant 0 : i32
    %dma_wait3A_110 = arith.constant 0 : i32
    %dma_wait3A_111 = tpu.memref_slice %arg6[%dma_wait3A_108, %dma_wait3A_109, %dma_wait3A_110] : memref<5x128x128xf32, #tpu.memory_space<vmem>> -> memref<1x128x128xf32, #tpu.memory_space<vmem>>
    %dma_wait3A_112 = tpu.memref_squeeze %dma_wait3A_111 : memref<1x128x128xf32, #tpu.memory_space<vmem>> -> memref<128x128xf32, #tpu.memory_space<vmem>>
    %dma_wait3A_113 = arith.constant 0 : i32
    %dma_wait3A_114 = tpu.memref_slice %arg5[%dma_wait3A_107, %dma_wait3A_113] : memref<10x128xi32, #tpu.memory_space<vmem>> -> memref<1x128xi32, #tpu.memory_space<vmem>>
    %dma_wait3A_115 = tpu.memref_squeeze %dma_wait3A_114 : memref<1x128xi32, #tpu.memory_space<vmem>> -> memref<128xi32, #tpu.memory_space<vmem>>
    %dma_wait3A_116 = arith.constant 0 : i32
    %dma_wait3A_117 = arith.constant 0 : i32
    %dma_wait3A_118 = tpu.memref_slice %arg2[%dma_wait3A_116, %dma_wait3A_117] : memref<1000x128xf32, #tpu.memory_space<hbm>> -> memref<1000x128xf32, #tpu.memory_space<hbm>>
    tpu.wait_indirect_dma semaphore(%arg7 : memref<!tpu.dma_semaphore, #tpu.memory_space<semaphore_mem>>) src(%dma_wait3A_118 : memref<1000x128xf32, #tpu.memory_space<hbm>>) dst(%dma_wait3A_112 : memref<128x128xf32, #tpu.memory_space<vmem>>)
    "tpu.region"() ({
      %run_scoped3A = tpu.sem_alloc : memref<!tpu.dma_semaphore, #tpu.memory_space<semaphore_mem>>
      %dma_start3A_239 = arith.constant 0 : i32
      %dma_start3A_240 = arith.constant 0 : i32
      %dma_start3A_241 = arith.constant 0 : i32
      %dma_start3A_242 = tpu.memref_slice %arg4[%add3A, %dma_start3A_239, %dma_start3A_240, %dma_start3A_241] : memref<32x10x128x128xf32, #tpu.memory_space<hbm>> -> memref<1x10x128x128xf32, #tpu.memory_space<hbm>>
      %dma_start3A_243 = tpu.memref_squeeze %dma_start3A_242 : memref<1x10x128x128xf32, #tpu.memory_space<hbm>> -> memref<10x128x128xf32, #tpu.memory_space<hbm>>
      %dma_start3A_244 = arith.constant 0 : i32
      %dma_start3A_245 = arith.constant 0 : i32
      %dma_start3A_246 = arith.constant 0 : i32
      %dma_start3A_247 = tpu.memref_slice %dma_start3A_243[%dma_start3A_244, %dma_start3A_245, %dma_start3A_246] : memref<10x128x128xf32, #tpu.memory_space<hbm>> -> memref<5x128x128xf32, #tpu.memory_space<hbm>>
      %dma_start3A_248 = arith.constant 0 : i32
      %dma_start3A_249 = arith.constant 0 : i32
      %dma_start3A_250 = arith.constant 0 : i32
      %dma_start3A_251 = tpu.memref_slice %arg4[%add3A, %dma_start3A_248, %dma_start3A_249, %dma_start3A_250] : memref<32x10x128x128xf32, #tpu.memory_space<hbm>> -> memref<1x10x128x128xf32, #tpu.memory_space<hbm>>
      %dma_start3A_252 = tpu.memref_squeeze %dma_start3A_251 : memref<1x10x128x128xf32, #tpu.memory_space<hbm>> -> memref<10x128x128xf32, #tpu.memory_space<hbm>>
      %dma_start3A_253 = arith.constant 0 : i32
      %dma_start3A_254 = arith.constant 0 : i32
      %dma_start3A_255 = arith.constant 0 : i32
      %dma_start3A_256 = tpu.memref_slice %dma_start3A_252[%dma_start3A_253, %dma_start3A_254, %dma_start3A_255] : memref<10x128x128xf32, #tpu.memory_space<hbm>> -> memref<5x128x128xf32, #tpu.memory_space<hbm>>
      tpu.enqueue_dma source(%arg6 : memref<5x128x128xf32, #tpu.memory_space<vmem>>) target(%dma_start3A_256 : memref<5x128x128xf32, #tpu.memory_space<hbm>>) target_semaphore(%run_scoped3A : memref<!tpu.dma_semaphore, #tpu.memory_space<semaphore_mem>>)
      %dma_wait3A_257 = arith.constant 0 : i32
      %dma_wait3A_258 = arith.constant 0 : i32
      %dma_wait3A_259 = arith.constant 0 : i32
      %dma_wait3A_260 = tpu.memref_slice %arg4[%add3A, %dma_wait3A_257, %dma_wait3A_258, %dma_wait3A_259] : memref<32x10x128x128xf32, #tpu.memory_space<hbm>> -> memref<1x10x128x128xf32, #tpu.memory_space<hbm>>
      %dma_wait3A_261 = tpu.memref_squeeze %dma_wait3A_260 : memref<1x10x128x128xf32, #tpu.memory_space<hbm>> -> memref<10x128x128xf32, #tpu.memory_space<hbm>>
      %dma_wait3A_262 = arith.constant 0 : i32
      %dma_wait3A_263 = arith.constant 0 : i32
      %dma_wait3A_264 = arith.constant 0 : i32
      %dma_wait3A_265 = tpu.memref_slice %dma_wait3A_261[%dma_wait3A_262, %dma_wait3A_263, %dma_wait3A_264] : memref<10x128x128xf32, #tpu.memory_space<hbm>> -> memref<5x128x128xf32, #tpu.memory_space<hbm>>
      %dma_wait3A_266 = arith.constant 0 : i32
      %dma_wait3A_267 = arith.constant 0 : i32
      %dma_wait3A_268 = arith.constant 0 : i32
      %dma_wait3A_269 = tpu.memref_slice %arg4[%add3A, %dma_wait3A_266, %dma_wait3A_267, %dma_wait3A_268] : memref<32x10x128x128xf32, #tpu.memory_space<hbm>> -> memref<1x10x128x128xf32, #tpu.memory_space<hbm>>
      %dma_wait3A_270 = tpu.memref_squeeze %dma_wait3A_269 : memref<1x10x128x128xf32, #tpu.memory_space<hbm>> -> memref<10x128x128xf32, #tpu.memory_space<hbm>>
      %dma_wait3A_271 = arith.constant 0 : i32
      %dma_wait3A_272 = arith.constant 0 : i32
      %dma_wait3A_273 = arith.constant 0 : i32
      %dma_wait3A_274 = tpu.memref_slice %dma_wait3A_270[%dma_wait3A_271, %dma_wait3A_272, %dma_wait3A_273] : memref<10x128x128xf32, #tpu.memory_space<hbm>> -> memref<5x128x128xf32, #tpu.memory_space<hbm>>
      tpu.wait_dma2 semaphore(%run_scoped3A : memref<!tpu.dma_semaphore, #tpu.memory_space<semaphore_mem>>) src(%arg6 : memref<5x128x128xf32, #tpu.memory_space<vmem>>) dst(%dma_wait3A_274 : memref<5x128x128xf32, #tpu.memory_space<hbm>>)
      tpu.yield
    }) : () -> ()
    %dma_start3A_119 = arith.constant 5 : i32
    %dma_start3A_120 = arith.constant 0 : i32
    %dma_start3A_121 = arith.constant 0 : i32
    %dma_start3A_122 = arith.constant 0 : i32
    %dma_start3A_123 = tpu.memref_slice %arg6[%dma_start3A_120, %dma_start3A_121, %dma_start3A_122] : memref<5x128x128xf32, #tpu.memory_space<vmem>> -> memref<1x128x128xf32, #tpu.memory_space<vmem>>
    %dma_start3A_124 = tpu.memref_squeeze %dma_start3A_123 : memref<1x128x128xf32, #tpu.memory_space<vmem>> -> memref<128x128xf32, #tpu.memory_space<vmem>>
    %dma_start3A_125 = arith.constant 0 : i32
    %dma_start3A_126 = tpu.memref_slice %arg5[%dma_start3A_119, %dma_start3A_125] : memref<10x128xi32, #tpu.memory_space<vmem>> -> memref<1x128xi32, #tpu.memory_space<vmem>>
    %dma_start3A_127 = tpu.memref_squeeze %dma_start3A_126 : memref<1x128xi32, #tpu.memory_space<vmem>> -> memref<128xi32, #tpu.memory_space<vmem>>
    %dma_start3A_128 = arith.constant 0 : i32
    %dma_start3A_129 = arith.constant 0 : i32
    %dma_start3A_130 = tpu.memref_slice %arg2[%dma_start3A_128, %dma_start3A_129] : memref<1000x128xf32, #tpu.memory_space<hbm>> -> memref<1000x128xf32, #tpu.memory_space<hbm>>
    tpu.enqueue_indirect_dma source(%dma_start3A_130 : memref<1000x128xf32, #tpu.memory_space<hbm>>) target(%dma_start3A_124 : memref<128x128xf32, #tpu.memory_space<vmem>>) offsets(%dma_start3A_127 : memref<128xi32, #tpu.memory_space<vmem>>) semaphore(%arg7 : memref<!tpu.dma_semaphore, #tpu.memory_space<semaphore_mem>>)
    %dma_start3A_131 = arith.constant 6 : i32
    %dma_start3A_132 = arith.constant 1 : i32
    %dma_start3A_133 = arith.constant 0 : i32
    %dma_start3A_134 = arith.constant 0 : i32
    %dma_start3A_135 = tpu.memref_slice %arg6[%dma_start3A_132, %dma_start3A_133, %dma_start3A_134] : memref<5x128x128xf32, #tpu.memory_space<vmem>> -> memref<1x128x128xf32, #tpu.memory_space<vmem>>
    %dma_start3A_136 = tpu.memref_squeeze %dma_start3A_135 : memref<1x128x128xf32, #tpu.memory_space<vmem>> -> memref<128x128xf32, #tpu.memory_space<vmem>>
    %dma_start3A_137 = arith.constant 0 : i32
    %dma_start3A_138 = tpu.memref_slice %arg5[%dma_start3A_131, %dma_start3A_137] : memref<10x128xi32, #tpu.memory_space<vmem>> -> memref<1x128xi32, #tpu.memory_space<vmem>>
    %dma_start3A_139 = tpu.memref_squeeze %dma_start3A_138 : memref<1x128xi32, #tpu.memory_space<vmem>> -> memref<128xi32, #tpu.memory_space<vmem>>
    %dma_start3A_140 = arith.constant 0 : i32
    %dma_start3A_141 = arith.constant 0 : i32
    %dma_start3A_142 = tpu.memref_slice %arg2[%dma_start3A_140, %dma_start3A_141] : memref<1000x128xf32, #tpu.memory_space<hbm>> -> memref<1000x128xf32, #tpu.memory_space<hbm>>
    tpu.enqueue_indirect_dma source(%dma_start3A_142 : memref<1000x128xf32, #tpu.memory_space<hbm>>) target(%dma_start3A_136 : memref<128x128xf32, #tpu.memory_space<vmem>>) offsets(%dma_start3A_139 : memref<128xi32, #tpu.memory_space<vmem>>) semaphore(%arg7 : memref<!tpu.dma_semaphore, #tpu.memory_space<semaphore_mem>>)
    %dma_start3A_143 = arith.constant 7 : i32
    %dma_start3A_144 = arith.constant 2 : i32
    %dma_start3A_145 = arith.constant 0 : i32
    %dma_start3A_146 = arith.constant 0 : i32
    %dma_start3A_147 = tpu.memref_slice %arg6[%dma_start3A_144, %dma_start3A_145, %dma_start3A_146] : memref<5x128x128xf32, #tpu.memory_space<vmem>> -> memref<1x128x128xf32, #tpu.memory_space<vmem>>
    %dma_start3A_148 = tpu.memref_squeeze %dma_start3A_147 : memref<1x128x128xf32, #tpu.memory_space<vmem>> -> memref<128x128xf32, #tpu.memory_space<vmem>>
    %dma_start3A_149 = arith.constant 0 : i32
    %dma_start3A_150 = tpu.memref_slice %arg5[%dma_start3A_143, %dma_start3A_149] : memref<10x128xi32, #tpu.memory_space<vmem>> -> memref<1x128xi32, #tpu.memory_space<vmem>>
    %dma_start3A_151 = tpu.memref_squeeze %dma_start3A_150 : memref<1x128xi32, #tpu.memory_space<vmem>> -> memref<128xi32, #tpu.memory_space<vmem>>
    %dma_start3A_152 = arith.constant 0 : i32
    %dma_start3A_153 = arith.constant 0 : i32
    %dma_start3A_154 = tpu.memref_slice %arg2[%dma_start3A_152, %dma_start3A_153] : memref<1000x128xf32, #tpu.memory_space<hbm>> -> memref<1000x128xf32, #tpu.memory_space<hbm>>
    tpu.enqueue_indirect_dma source(%dma_start3A_154 : memref<1000x128xf32, #tpu.memory_space<hbm>>) target(%dma_start3A_148 : memref<128x128xf32, #tpu.memory_space<vmem>>) offsets(%dma_start3A_151 : memref<128xi32, #tpu.memory_space<vmem>>) semaphore(%arg7 : memref<!tpu.dma_semaphore, #tpu.memory_space<semaphore_mem>>)
    %dma_start3A_155 = arith.constant 8 : i32
    %dma_start3A_156 = arith.constant 3 : i32
    %dma_start3A_157 = arith.constant 0 : i32
    %dma_start3A_158 = arith.constant 0 : i32
    %dma_start3A_159 = tpu.memref_slice %arg6[%dma_start3A_156, %dma_start3A_157, %dma_start3A_158] : memref<5x128x128xf32, #tpu.memory_space<vmem>> -> memref<1x128x128xf32, #tpu.memory_space<vmem>>
    %dma_start3A_160 = tpu.memref_squeeze %dma_start3A_159 : memref<1x128x128xf32, #tpu.memory_space<vmem>> -> memref<128x128xf32, #tpu.memory_space<vmem>>
    %dma_start3A_161 = arith.constant 0 : i32
    %dma_start3A_162 = tpu.memref_slice %arg5[%dma_start3A_155, %dma_start3A_161] : memref<10x128xi32, #tpu.memory_space<vmem>> -> memref<1x128xi32, #tpu.memory_space<vmem>>
    %dma_start3A_163 = tpu.memref_squeeze %dma_start3A_162 : memref<1x128xi32, #tpu.memory_space<vmem>> -> memref<128xi32, #tpu.memory_space<vmem>>
    %dma_start3A_164 = arith.constant 0 : i32
    %dma_start3A_165 = arith.constant 0 : i32
    %dma_start3A_166 = tpu.memref_slice %arg2[%dma_start3A_164, %dma_start3A_165] : memref<1000x128xf32, #tpu.memory_space<hbm>> -> memref<1000x128xf32, #tpu.memory_space<hbm>>
    tpu.enqueue_indirect_dma source(%dma_start3A_166 : memref<1000x128xf32, #tpu.memory_space<hbm>>) target(%dma_start3A_160 : memref<128x128xf32, #tpu.memory_space<vmem>>) offsets(%dma_start3A_163 : memref<128xi32, #tpu.memory_space<vmem>>) semaphore(%arg7 : memref<!tpu.dma_semaphore, #tpu.memory_space<semaphore_mem>>)
    %dma_start3A_167 = arith.constant 9 : i32
    %dma_start3A_168 = arith.constant 4 : i32
    %dma_start3A_169 = arith.constant 0 : i32
    %dma_start3A_170 = arith.constant 0 : i32
    %dma_start3A_171 = tpu.memref_slice %arg6[%dma_start3A_168, %dma_start3A_169, %dma_start3A_170] : memref<5x128x128xf32, #tpu.memory_space<vmem>> -> memref<1x128x128xf32, #tpu.memory_space<vmem>>
    %dma_start3A_172 = tpu.memref_squeeze %dma_start3A_171 : memref<1x128x128xf32, #tpu.memory_space<vmem>> -> memref<128x128xf32, #tpu.memory_space<vmem>>
    %dma_start3A_173 = arith.constant 0 : i32
    %dma_start3A_174 = tpu.memref_slice %arg5[%dma_start3A_167, %dma_start3A_173] : memref<10x128xi32, #tpu.memory_space<vmem>> -> memref<1x128xi32, #tpu.memory_space<vmem>>
    %dma_start3A_175 = tpu.memref_squeeze %dma_start3A_174 : memref<1x128xi32, #tpu.memory_space<vmem>> -> memref<128xi32, #tpu.memory_space<vmem>>
    %dma_start3A_176 = arith.constant 0 : i32
    %dma_start3A_177 = arith.constant 0 : i32
    %dma_start3A_178 = tpu.memref_slice %arg2[%dma_start3A_176, %dma_start3A_177] : memref<1000x128xf32, #tpu.memory_space<hbm>> -> memref<1000x128xf32, #tpu.memory_space<hbm>>
    tpu.enqueue_indirect_dma source(%dma_start3A_178 : memref<1000x128xf32, #tpu.memory_space<hbm>>) target(%dma_start3A_172 : memref<128x128xf32, #tpu.memory_space<vmem>>) offsets(%dma_start3A_175 : memref<128xi32, #tpu.memory_space<vmem>>) semaphore(%arg7 : memref<!tpu.dma_semaphore, #tpu.memory_space<semaphore_mem>>)
    %dma_wait3A_179 = arith.constant 5 : i32
    %dma_wait3A_180 = arith.constant 0 : i32
    %dma_wait3A_181 = arith.constant 0 : i32
    %dma_wait3A_182 = arith.constant 0 : i32
    %dma_wait3A_183 = tpu.memref_slice %arg6[%dma_wait3A_180, %dma_wait3A_181, %dma_wait3A_182] : memref<5x128x128xf32, #tpu.memory_space<vmem>> -> memref<1x128x128xf32, #tpu.memory_space<vmem>>
    %dma_wait3A_184 = tpu.memref_squeeze %dma_wait3A_183 : memref<1x128x128xf32, #tpu.memory_space<vmem>> -> memref<128x128xf32, #tpu.memory_space<vmem>>
    %dma_wait3A_185 = arith.constant 0 : i32
    %dma_wait3A_186 = tpu.memref_slice %arg5[%dma_wait3A_179, %dma_wait3A_185] : memref<10x128xi32, #tpu.memory_space<vmem>> -> memref<1x128xi32, #tpu.memory_space<vmem>>
    %dma_wait3A_187 = tpu.memref_squeeze %dma_wait3A_186 : memref<1x128xi32, #tpu.memory_space<vmem>> -> memref<128xi32, #tpu.memory_space<vmem>>
    %dma_wait3A_188 = arith.constant 0 : i32
    %dma_wait3A_189 = arith.constant 0 : i32
    %dma_wait3A_190 = tpu.memref_slice %arg2[%dma_wait3A_188, %dma_wait3A_189] : memref<1000x128xf32, #tpu.memory_space<hbm>> -> memref<1000x128xf32, #tpu.memory_space<hbm>>
    tpu.wait_indirect_dma semaphore(%arg7 : memref<!tpu.dma_semaphore, #tpu.memory_space<semaphore_mem>>) src(%dma_wait3A_190 : memref<1000x128xf32, #tpu.memory_space<hbm>>) dst(%dma_wait3A_184 : memref<128x128xf32, #tpu.memory_space<vmem>>)
    %dma_wait3A_191 = arith.constant 6 : i32
    %dma_wait3A_192 = arith.constant 1 : i32
    %dma_wait3A_193 = arith.constant 0 : i32
    %dma_wait3A_194 = arith.constant 0 : i32
    %dma_wait3A_195 = tpu.memref_slice %arg6[%dma_wait3A_192, %dma_wait3A_193, %dma_wait3A_194] : memref<5x128x128xf32, #tpu.memory_space<vmem>> -> memref<1x128x128xf32, #tpu.memory_space<vmem>>
    %dma_wait3A_196 = tpu.memref_squeeze %dma_wait3A_195 : memref<1x128x128xf32, #tpu.memory_space<vmem>> -> memref<128x128xf32, #tpu.memory_space<vmem>>
    %dma_wait3A_197 = arith.constant 0 : i32
    %dma_wait3A_198 = tpu.memref_slice %arg5[%dma_wait3A_191, %dma_wait3A_197] : memref<10x128xi32, #tpu.memory_space<vmem>> -> memref<1x128xi32, #tpu.memory_space<vmem>>
    %dma_wait3A_199 = tpu.memref_squeeze %dma_wait3A_198 : memref<1x128xi32, #tpu.memory_space<vmem>> -> memref<128xi32, #tpu.memory_space<vmem>>
    %dma_wait3A_200 = arith.constant 0 : i32
    %dma_wait3A_201 = arith.constant 0 : i32
    %dma_wait3A_202 = tpu.memref_slice %arg2[%dma_wait3A_200, %dma_wait3A_201] : memref<1000x128xf32, #tpu.memory_space<hbm>> -> memref<1000x128xf32, #tpu.memory_space<hbm>>
    tpu.wait_indirect_dma semaphore(%arg7 : memref<!tpu.dma_semaphore, #tpu.memory_space<semaphore_mem>>) src(%dma_wait3A_202 : memref<1000x128xf32, #tpu.memory_space<hbm>>) dst(%dma_wait3A_196 : memref<128x128xf32, #tpu.memory_space<vmem>>)
    %dma_wait3A_203 = arith.constant 7 : i32
    %dma_wait3A_204 = arith.constant 2 : i32
    %dma_wait3A_205 = arith.constant 0 : i32
    %dma_wait3A_206 = arith.constant 0 : i32
    %dma_wait3A_207 = tpu.memref_slice %arg6[%dma_wait3A_204, %dma_wait3A_205, %dma_wait3A_206] : memref<5x128x128xf32, #tpu.memory_space<vmem>> -> memref<1x128x128xf32, #tpu.memory_space<vmem>>
    %dma_wait3A_208 = tpu.memref_squeeze %dma_wait3A_207 : memref<1x128x128xf32, #tpu.memory_space<vmem>> -> memref<128x128xf32, #tpu.memory_space<vmem>>
    %dma_wait3A_209 = arith.constant 0 : i32
    %dma_wait3A_210 = tpu.memref_slice %arg5[%dma_wait3A_203, %dma_wait3A_209] : memref<10x128xi32, #tpu.memory_space<vmem>> -> memref<1x128xi32, #tpu.memory_space<vmem>>
    %dma_wait3A_211 = tpu.memref_squeeze %dma_wait3A_210 : memref<1x128xi32, #tpu.memory_space<vmem>> -> memref<128xi32, #tpu.memory_space<vmem>>
    %dma_wait3A_212 = arith.constant 0 : i32
    %dma_wait3A_213 = arith.constant 0 : i32
    %dma_wait3A_214 = tpu.memref_slice %arg2[%dma_wait3A_212, %dma_wait3A_213] : memref<1000x128xf32, #tpu.memory_space<hbm>> -> memref<1000x128xf32, #tpu.memory_space<hbm>>
    tpu.wait_indirect_dma semaphore(%arg7 : memref<!tpu.dma_semaphore, #tpu.memory_space<semaphore_mem>>) src(%dma_wait3A_214 : memref<1000x128xf32, #tpu.memory_space<hbm>>) dst(%dma_wait3A_208 : memref<128x128xf32, #tpu.memory_space<vmem>>)
    %dma_wait3A_215 = arith.constant 8 : i32
    %dma_wait3A_216 = arith.constant 3 : i32
    %dma_wait3A_217 = arith.constant 0 : i32
    %dma_wait3A_218 = arith.constant 0 : i32
    %dma_wait3A_219 = tpu.memref_slice %arg6[%dma_wait3A_216, %dma_wait3A_217, %dma_wait3A_218] : memref<5x128x128xf32, #tpu.memory_space<vmem>> -> memref<1x128x128xf32, #tpu.memory_space<vmem>>
    %dma_wait3A_220 = tpu.memref_squeeze %dma_wait3A_219 : memref<1x128x128xf32, #tpu.memory_space<vmem>> -> memref<128x128xf32, #tpu.memory_space<vmem>>
    %dma_wait3A_221 = arith.constant 0 : i32
    %dma_wait3A_222 = tpu.memref_slice %arg5[%dma_wait3A_215, %dma_wait3A_221] : memref<10x128xi32, #tpu.memory_space<vmem>> -> memref<1x128xi32, #tpu.memory_space<vmem>>
    %dma_wait3A_223 = tpu.memref_squeeze %dma_wait3A_222 : memref<1x128xi32, #tpu.memory_space<vmem>> -> memref<128xi32, #tpu.memory_space<vmem>>
    %dma_wait3A_224 = arith.constant 0 : i32
    %dma_wait3A_225 = arith.constant 0 : i32
    %dma_wait3A_226 = tpu.memref_slice %arg2[%dma_wait3A_224, %dma_wait3A_225] : memref<1000x128xf32, #tpu.memory_space<hbm>> -> memref<1000x128xf32, #tpu.memory_space<hbm>>
    tpu.wait_indirect_dma semaphore(%arg7 : memref<!tpu.dma_semaphore, #tpu.memory_space<semaphore_mem>>) src(%dma_wait3A_226 : memref<1000x128xf32, #tpu.memory_space<hbm>>) dst(%dma_wait3A_220 : memref<128x128xf32, #tpu.memory_space<vmem>>)
    %dma_wait3A_227 = arith.constant 9 : i32
    %dma_wait3A_228 = arith.constant 4 : i32
    %dma_wait3A_229 = arith.constant 0 : i32
    %dma_wait3A_230 = arith.constant 0 : i32
    %dma_wait3A_231 = tpu.memref_slice %arg6[%dma_wait3A_228, %dma_wait3A_229, %dma_wait3A_230] : memref<5x128x128xf32, #tpu.memory_space<vmem>> -> memref<1x128x128xf32, #tpu.memory_space<vmem>>
    %dma_wait3A_232 = tpu.memref_squeeze %dma_wait3A_231 : memref<1x128x128xf32, #tpu.memory_space<vmem>> -> memref<128x128xf32, #tpu.memory_space<vmem>>
    %dma_wait3A_233 = arith.constant 0 : i32
    %dma_wait3A_234 = tpu.memref_slice %arg5[%dma_wait3A_227, %dma_wait3A_233] : memref<10x128xi32, #tpu.memory_space<vmem>> -> memref<1x128xi32, #tpu.memory_space<vmem>>
    %dma_wait3A_235 = tpu.memref_squeeze %dma_wait3A_234 : memref<1x128xi32, #tpu.memory_space<vmem>> -> memref<128xi32, #tpu.memory_space<vmem>>
    %dma_wait3A_236 = arith.constant 0 : i32
    %dma_wait3A_237 = arith.constant 0 : i32
    %dma_wait3A_238 = tpu.memref_slice %arg2[%dma_wait3A_236, %dma_wait3A_237] : memref<1000x128xf32, #tpu.memory_space<hbm>> -> memref<1000x128xf32, #tpu.memory_space<hbm>>
    tpu.wait_indirect_dma semaphore(%arg7 : memref<!tpu.dma_semaphore, #tpu.memory_space<semaphore_mem>>) src(%dma_wait3A_238 : memref<1000x128xf32, #tpu.memory_space<hbm>>) dst(%dma_wait3A_232 : memref<128x128xf32, #tpu.memory_space<vmem>>)
    "tpu.region"() ({
      %run_scoped3A = tpu.sem_alloc : memref<!tpu.dma_semaphore, #tpu.memory_space<semaphore_mem>>
      %dma_start3A_239 = arith.constant 0 : i32
      %dma_start3A_240 = arith.constant 0 : i32
      %dma_start3A_241 = arith.constant 0 : i32
      %dma_start3A_242 = tpu.memref_slice %arg4[%add3A, %dma_start3A_239, %dma_start3A_240, %dma_start3A_241] : memref<32x10x128x128xf32, #tpu.memory_space<hbm>> -> memref<1x10x128x128xf32, #tpu.memory_space<hbm>>
      %dma_start3A_243 = tpu.memref_squeeze %dma_start3A_242 : memref<1x10x128x128xf32, #tpu.memory_space<hbm>> -> memref<10x128x128xf32, #tpu.memory_space<hbm>>
      %dma_start3A_244 = arith.constant 5 : i32
      %dma_start3A_245 = arith.constant 0 : i32
      %dma_start3A_246 = arith.constant 0 : i32
      %dma_start3A_247 = tpu.memref_slice %dma_start3A_243[%dma_start3A_244, %dma_start3A_245, %dma_start3A_246] : memref<10x128x128xf32, #tpu.memory_space<hbm>> -> memref<5x128x128xf32, #tpu.memory_space<hbm>>
      %dma_start3A_248 = arith.constant 0 : i32
      %dma_start3A_249 = arith.constant 0 : i32
      %dma_start3A_250 = arith.constant 0 : i32
      %dma_start3A_251 = tpu.memref_slice %arg4[%add3A, %dma_start3A_248, %dma_start3A_249, %dma_start3A_250] : memref<32x10x128x128xf32, #tpu.memory_space<hbm>> -> memref<1x10x128x128xf32, #tpu.memory_space<hbm>>
      %dma_start3A_252 = tpu.memref_squeeze %dma_start3A_251 : memref<1x10x128x128xf32, #tpu.memory_space<hbm>> -> memref<10x128x128xf32, #tpu.memory_space<hbm>>
      %dma_start3A_253 = arith.constant 5 : i32
      %dma_start3A_254 = arith.constant 0 : i32
      %dma_start3A_255 = arith.constant 0 : i32
      %dma_start3A_256 = tpu.memref_slice %dma_start3A_252[%dma_start3A_253, %dma_start3A_254, %dma_start3A_255] : memref<10x128x128xf32, #tpu.memory_space<hbm>> -> memref<5x128x128xf32, #tpu.memory_space<hbm>>
      tpu.enqueue_dma source(%arg6 : memref<5x128x128xf32, #tpu.memory_space<vmem>>) target(%dma_start3A_256 : memref<5x128x128xf32, #tpu.memory_space<hbm>>) target_semaphore(%run_scoped3A : memref<!tpu.dma_semaphore, #tpu.memory_space<semaphore_mem>>)
      %dma_wait3A_257 = arith.constant 0 : i32
      %dma_wait3A_258 = arith.constant 0 : i32
      %dma_wait3A_259 = arith.constant 0 : i32
      %dma_wait3A_260 = tpu.memref_slice %arg4[%add3A, %dma_wait3A_257, %dma_wait3A_258, %dma_wait3A_259] : memref<32x10x128x128xf32, #tpu.memory_space<hbm>> -> memref<1x10x128x128xf32, #tpu.memory_space<hbm>>
      %dma_wait3A_261 = tpu.memref_squeeze %dma_wait3A_260 : memref<1x10x128x128xf32, #tpu.memory_space<hbm>> -> memref<10x128x128xf32, #tpu.memory_space<hbm>>
      %dma_wait3A_262 = arith.constant 5 : i32
      %dma_wait3A_263 = arith.constant 0 : i32
      %dma_wait3A_264 = arith.constant 0 : i32
      %dma_wait3A_265 = tpu.memref_slice %dma_wait3A_261[%dma_wait3A_262, %dma_wait3A_263, %dma_wait3A_264] : memref<10x128x128xf32, #tpu.memory_space<hbm>> -> memref<5x128x128xf32, #tpu.memory_space<hbm>>
      %dma_wait3A_266 = arith.constant 0 : i32
      %dma_wait3A_267 = arith.constant 0 : i32
      %dma_wait3A_268 = arith.constant 0 : i32
      %dma_wait3A_269 = tpu.memref_slice %arg4[%add3A, %dma_wait3A_266, %dma_wait3A_267, %dma_wait3A_268] : memref<32x10x128x128xf32, #tpu.memory_space<hbm>> -> memref<1x10x128x128xf32, #tpu.memory_space<hbm>>
      %dma_wait3A_270 = tpu.memref_squeeze %dma_wait3A_269 : memref<1x10x128x128xf32, #tpu.memory_space<hbm>> -> memref<10x128x128xf32, #tpu.memory_space<hbm>>
      %dma_wait3A_271 = arith.constant 5 : i32
      %dma_wait3A_272 = arith.constant 0 : i32
      %dma_wait3A_273 = arith.constant 0 : i32
      %dma_wait3A_274 = tpu.memref_slice %dma_wait3A_270[%dma_wait3A_271, %dma_wait3A_272, %dma_wait3A_273] : memref<10x128x128xf32, #tpu.memory_space<hbm>> -> memref<5x128x128xf32, #tpu.memory_space<hbm>>
      tpu.wait_dma2 semaphore(%run_scoped3A : memref<!tpu.dma_semaphore, #tpu.memory_space<semaphore_mem>>) src(%arg6 : memref<5x128x128xf32, #tpu.memory_space<vmem>>) dst(%dma_wait3A_274 : memref<5x128x128xf32, #tpu.memory_space<hbm>>)
      tpu.yield
    }) : () -> ()
    return
  }
}

module attributes {stable_mosaic.version = 14 : i64} {
  func.func @_fused_body(%arg0: i32, %arg1: memref<2x1x1024x128xf32, #tpu.memory_space<vmem>>, %arg2: memref<2048x128xbf16, #tpu.memory_space<vmem>>, %arg3: memref<2048x512xbf16, #tpu.memory_space<vmem>>, %arg4: memref<1x2048xf32, #tpu.memory_space<vmem>>, %arg5: memref<1000x512xbf16, #tpu.memory_space<vmem>>, %arg6: memref<1000x1xf32, #tpu.memory_space<vmem>>, %arg7: memref<128x512xbf16, #tpu.memory_space<vmem>>, %arg8: memref<128x1xf32, #tpu.memory_space<vmem>>, %arg9: memref<1x1000x1024xf32, #tpu.memory_space<vmem>>, %arg10: memref<1x128x1024xf32, #tpu.memory_space<vmem>>, %arg11: memref<1x1024x512xf32, #tpu.memory_space<vmem>>, %arg12: memref<1x1024x512xf32, #tpu.memory_space<vmem>>, %arg13: memref<1024x512xbf16, #tpu.memory_space<vmem>>, %arg14: memref<1024x512xf32, #tpu.memory_space<vmem>>) attributes {dimension_semantics = [#tpu.dimension_semantics<arbitrary>], iteration_bounds = array<i64: 20>, scalar_prefetch = 0 : i64, scratch_operands = 2 : i64, tpu.core_type = #tpu.core_type<tc>, window_params = [{transform_indices = @transform_0, window_bounds = array<i64: 2, 1, 1024, 128>}, {pipeline_mode = #tpu.pipeline_mode<synchronous>, transform_indices = @transform_1, window_bounds = array<i64: 2048, 128>}, {pipeline_mode = #tpu.pipeline_mode<synchronous>, transform_indices = @transform_2, window_bounds = array<i64: 2048, 512>}, {pipeline_mode = #tpu.pipeline_mode<synchronous>, transform_indices = @transform_3, window_bounds = array<i64: 1, 2048>}, {pipeline_mode = #tpu.pipeline_mode<synchronous>, transform_indices = @transform_4, window_bounds = array<i64: 1000, 512>}, {pipeline_mode = #tpu.pipeline_mode<synchronous>, transform_indices = @transform_5, window_bounds = array<i64: 1000, 1>}, {pipeline_mode = #tpu.pipeline_mode<synchronous>, transform_indices = @transform_6, window_bounds = array<i64: 128, 512>}, {pipeline_mode = #tpu.pipeline_mode<synchronous>, transform_indices = @transform_7, window_bounds = array<i64: 128, 1>}, {transform_indices = @transform_8, window_bounds = array<i64: 1, 1000, 1024>}, {transform_indices = @transform_9, window_bounds = array<i64: 1, 128, 1024>}, {pipeline_mode = #tpu.pipeline_mode<synchronous>, transform_indices = @transform_10, window_bounds = array<i64: 1, 1024, 512>}, {pipeline_mode = #tpu.pipeline_mode<synchronous>, transform_indices = @transform_11, window_bounds = array<i64: 1, 1024, 512>}]} {
    %eq3A = arith.constant 0 : i32
    %eq3A_0 = arith.cmpi eq, %arg0, %eq3A : i32
    %convert_element_type3A = arith.extui %eq3A_0 : i1 to i32
    %cond3A = arith.constant 0 : i32
    %cond3A_1 = arith.cmpi ne, %convert_element_type3A, %cond3A : i32
    scf.if %cond3A_1 {
      %broadcast_in_dim3A_206 = arith.constant 0.000000e+00 : bf16
      %broadcast_in_dim3A_207 = vector.broadcast %broadcast_in_dim3A_206 : bf16 to vector<1024x512xbf16>
      %swap3A_208 = arith.constant 0 : index
      %swap3A_209 = arith.constant 0 : index
      %swap3A_210 = vector.load %arg13[%swap3A_208, %swap3A_209] : memref<1024x512xbf16, #tpu.memory_space<vmem>>, vector<1024x512xbf16>
      tpu.vector_store %arg13[%swap3A_208, %swap3A_209], %broadcast_in_dim3A_207 {strides = array<i32>} : memref<1024x512xbf16, #tpu.memory_space<vmem>>, vector<1024x512xbf16>,
      %broadcast_in_dim3A_211 = arith.constant 0.000000e+00 : f32
      %broadcast_in_dim3A_212 = vector.broadcast %broadcast_in_dim3A_211 : f32 to vector<1024x512xf32>
      %swap3A_213 = arith.constant 0 : index
      %swap3A_214 = arith.constant 0 : index
      %swap3A_215 = vector.load %arg14[%swap3A_213, %swap3A_214] : memref<1024x512xf32, #tpu.memory_space<vmem>>, vector<1024x512xf32>
      tpu.vector_store %arg14[%swap3A_213, %swap3A_214], %broadcast_in_dim3A_212 {strides = array<i32>} : memref<1024x512xf32, #tpu.memory_space<vmem>>, vector<1024x512xf32>,
    } else {
    }
    %get3A = arith.constant 0 : index
    %get3A_2 = arith.constant 0 : index
    %get3A_3 = arith.constant 0 : index
    %get3A_4 = arith.constant 0 : index
    %get3A_5 = vector.load %arg1[%get3A, %get3A_2, %get3A_3, %get3A_4] : memref<2x1x1024x128xf32, #tpu.memory_space<vmem>>, vector<1x1x512x128xf32>
    %get3A_6 = vector.shape_cast %get3A_5 : vector<1x1x512x128xf32> to vector<512x128xf32>
    %get3A_7 = arith.constant 1 : index
    %get3A_8 = arith.constant 0 : index
    %get3A_9 = arith.constant 0 : index
    %get3A_10 = arith.constant 0 : index
    %get3A_11 = vector.load %arg1[%get3A_7, %get3A_8, %get3A_9, %get3A_10] : memref<2x1x1024x128xf32, #tpu.memory_space<vmem>>, vector<1x1x512x128xf32>
    %get3A_12 = vector.shape_cast %get3A_11 : vector<1x1x512x128xf32> to vector<512x128xf32>
    %add3A = arith.addf %get3A_6, %get3A_12 : vector<512x128xf32>
    %convert_element_type3A_13 = arith.truncf %add3A : vector<512x128xf32> to vector<512x128xbf16>
    %get3A_14 = arith.constant 0 : index
    %get3A_15 = arith.constant 0 : index
    %get3A_16 = vector.load %arg13[%get3A_14, %get3A_15] : memref<1024x512xbf16, #tpu.memory_space<vmem>>, vector<512x512xbf16>
    %get3A_17 = arith.constant 0 : index
    %get3A_18 = arith.constant 0 : index
    %get3A_19 = vector.load %arg14[%get3A_17, %get3A_18] : memref<1024x512xf32, #tpu.memory_space<vmem>>, vector<512x512xf32>
    %get3A_20 = arith.constant 0 : index
    %get3A_21 = arith.constant 0 : index
    %get3A_22 = vector.load %arg2[%get3A_20, %get3A_21] : memref<2048x128xbf16, #tpu.memory_space<vmem>>, vector<2048x128xbf16>
    %dot_general3A = arith.constant dense<0.000000e+00> : vector<512x2048xf32>
    %dot_general3A_23 = tpu.matmul %convert_element_type3A_13, %get3A_22, %dot_general3A {dimension_numbers = #tpu.dot_dimension_numbers<[1], [1], [0], [0], [0, 0, 1, 0], [], []>, transpose_lhs_hint = false} : vector<512x128xbf16>, vector<2048x128xbf16>, vector<512x2048xf32> -> vector<512x2048xf32>
    %get3A_24 = arith.constant 0 : index
    %get3A_25 = arith.constant 0 : index
    %get3A_26 = vector.load %arg3[%get3A_24, %get3A_25] : memref<2048x512xbf16, #tpu.memory_space<vmem>>, vector<2048x512xbf16>
    %dot_general3A_27 = arith.constant dense<0.000000e+00> : vector<512x2048xf32>
    %dot_general3A_28 = tpu.matmul %get3A_16, %get3A_26, %dot_general3A_27 {dimension_numbers = #tpu.dot_dimension_numbers<[1], [1], [0], [0], [0, 0, 1, 0], [], []>, transpose_lhs_hint = false} : vector<512x512xbf16>, vector<2048x512xbf16>, vector<512x2048xf32> -> vector<512x2048xf32>
    %add3A_29 = arith.addf %dot_general3A_23, %dot_general3A_28 : vector<512x2048xf32>
    %get3A_30 = arith.constant 0 : index
    %get3A_31 = arith.constant 0 : index
    %get3A_32 = vector.load %arg4[%get3A_30, %get3A_31] : memref<1x2048xf32, #tpu.memory_space<vmem>>, vector<1x2048xf32>
    %add3A_33 = vector.broadcast %get3A_32 : vector<1x2048xf32> to vector<512x2048xf32>
    %add3A_34 = arith.addf %add3A_29, %add3A_33 : vector<512x2048xf32>
    %slice3A = vector.extract_strided_slice %add3A_34 {offsets = [0, 0], sizes = [512, 1024], strides = [1, 1]} : vector<512x2048xf32> to vector<512x1024xf32>
    %mul3A = arith.constant 5.000000e-01 : f32
    %mul3A_35 = vector.broadcast %mul3A : f32 to vector<512x1024xf32>
    %mul3A_36 = arith.mulf %slice3A, %mul3A_35 : vector<512x1024xf32>
    %tanh3A = math.tanh %mul3A_36 : vector<512x1024xf32>
    %mul3A_37 = arith.constant 5.000000e-01 : f32
    %mul3A_38 = vector.broadcast %mul3A_37 : f32 to vector<512x1024xf32>
    %mul3A_39 = arith.mulf %tanh3A, %mul3A_38 : vector<512x1024xf32>
    %add3A_40 = arith.constant 5.000000e-01 : f32
    %add3A_41 = vector.broadcast %add3A_40 : f32 to vector<512x1024xf32>
    %add3A_42 = arith.addf %mul3A_39, %add3A_41 : vector<512x1024xf32>
    %slice3A_43 = vector.extract_strided_slice %add3A_34 {offsets = [0, 1024], sizes = [512, 512], strides = [1, 1]} : vector<512x2048xf32> to vector<512x512xf32>
    %tanh3A_44 = math.tanh %slice3A_43 : vector<512x512xf32>
    %slice3A_45 = vector.extract_strided_slice %add3A_34 {offsets = [0, 1536], sizes = [512, 512], strides = [1, 1]} : vector<512x2048xf32> to vector<512x512xf32>
    %mul3A_46 = arith.constant 5.000000e-01 : f32
    %mul3A_47 = vector.broadcast %mul3A_46 : f32 to vector<512x512xf32>
    %mul3A_48 = arith.mulf %slice3A_45, %mul3A_47 : vector<512x512xf32>
    %tanh3A_49 = math.tanh %mul3A_48 : vector<512x512xf32>
    %mul3A_50 = arith.constant 5.000000e-01 : f32
    %mul3A_51 = vector.broadcast %mul3A_50 : f32 to vector<512x512xf32>
    %mul3A_52 = arith.mulf %tanh3A_49, %mul3A_51 : vector<512x512xf32>
    %add3A_53 = arith.constant 5.000000e-01 : f32
    %add3A_54 = vector.broadcast %add3A_53 : f32 to vector<512x512xf32>
    %add3A_55 = arith.addf %mul3A_52, %add3A_54 : vector<512x512xf32>
    %slice3A_56 = vector.extract_strided_slice %add3A_42 {offsets = [0, 512], sizes = [512, 512], strides = [1, 1]} : vector<512x1024xf32> to vector<512x512xf32>
    %mul3A_57 = arith.mulf %slice3A_56, %get3A_19 : vector<512x512xf32>
    %slice3A_58 = vector.extract_strided_slice %add3A_42 {offsets = [0, 0], sizes = [512, 512], strides = [1, 1]} : vector<512x1024xf32> to vector<512x512xf32>
    %mul3A_59 = arith.mulf %slice3A_58, %tanh3A_44 : vector<512x512xf32>
    %add3A_60 = arith.addf %mul3A_57, %mul3A_59 : vector<512x512xf32>
    %tanh3A_61 = math.tanh %add3A_60 : vector<512x512xf32>
    %mul3A_62 = arith.mulf %add3A_55, %tanh3A_61 : vector<512x512xf32>
    %convert_element_type3A_63 = arith.truncf %mul3A_62 : vector<512x512xf32> to vector<512x512xbf16>
    %swap3A = arith.constant 0 : index
    %swap3A_64 = arith.constant 0 : index
    %swap3A_65 = vector.load %arg13[%swap3A, %swap3A_64] : memref<1024x512xbf16, #tpu.memory_space<vmem>>, vector<512x512xbf16>
    tpu.vector_store %arg13[%swap3A, %swap3A_64], %convert_element_type3A_63 {strides = array<i32>} : memref<1024x512xbf16, #tpu.memory_space<vmem>>, vector<512x512xbf16>,
    %swap3A_66 = arith.constant 0 : index
    %swap3A_67 = arith.constant 0 : index
    %swap3A_68 = vector.load %arg14[%swap3A_66, %swap3A_67] : memref<1024x512xf32, #tpu.memory_space<vmem>>, vector<512x512xf32>
    tpu.vector_store %arg14[%swap3A_66, %swap3A_67], %add3A_60 {strides = array<i32>} : memref<1024x512xf32, #tpu.memory_space<vmem>>, vector<512x512xf32>,
    %eq3A_69 = arith.constant 19 : i32
    %eq3A_70 = arith.cmpi eq, %arg0, %eq3A_69 : i32
    %convert_element_type3A_71 = arith.extui %eq3A_70 : i1 to i32
    %cond3A_72 = arith.constant 0 : i32
    %cond3A_73 = arith.cmpi ne, %convert_element_type3A_71, %cond3A_72 : i32
    scf.if %cond3A_73 {
      %swap3A_206 = arith.constant 0 : index
      %swap3A_207 = arith.constant 0 : index
      %swap3A_208 = arith.constant 0 : index
      %swap3A_209 = vector.load %arg11[%swap3A_206, %swap3A_207, %swap3A_208] : memref<1x1024x512xf32, #tpu.memory_space<vmem>>, vector<1x512x512xf32>
      %swap3A_210 = vector.shape_cast %swap3A_209 : vector<1x512x512xf32> to vector<512x512xf32>
      %swap3A_211 = vector.shape_cast %mul3A_62 : vector<512x512xf32> to vector<1x512x512xf32>
      tpu.vector_store %arg11[%swap3A_206, %swap3A_207, %swap3A_208], %swap3A_211 {strides = array<i32>} : memref<1x1024x512xf32, #tpu.memory_space<vmem>>, vector<1x512x512xf32>,
      %swap3A_212 = arith.constant 0 : index
      %swap3A_213 = arith.constant 0 : index
      %swap3A_214 = arith.constant 0 : index
      %swap3A_215 = vector.load %arg12[%swap3A_212, %swap3A_213, %swap3A_214] : memref<1x1024x512xf32, #tpu.memory_space<vmem>>, vector<1x512x512xf32>
      %swap3A_216 = vector.shape_cast %swap3A_215 : vector<1x512x512xf32> to vector<512x512xf32>
      %swap3A_217 = vector.shape_cast %add3A_60 : vector<512x512xf32> to vector<1x512x512xf32>
      tpu.vector_store %arg12[%swap3A_212, %swap3A_213, %swap3A_214], %swap3A_217 {strides = array<i32>} : memref<1x1024x512xf32, #tpu.memory_space<vmem>>, vector<1x512x512xf32>,
    } else {
    }
    %get3A_74 = arith.constant 0 : index
    %get3A_75 = arith.constant 0 : index
    %get3A_76 = arith.constant 512 : index
    %get3A_77 = arith.constant 0 : index
    %get3A_78 = vector.load %arg1[%get3A_74, %get3A_75, %get3A_76, %get3A_77] : memref<2x1x1024x128xf32, #tpu.memory_space<vmem>>, vector<1x1x512x128xf32>
    %get3A_79 = vector.shape_cast %get3A_78 : vector<1x1x512x128xf32> to vector<512x128xf32>
    %get3A_80 = arith.constant 1 : index
    %get3A_81 = arith.constant 0 : index
    %get3A_82 = arith.constant 512 : index
    %get3A_83 = arith.constant 0 : index
    %get3A_84 = vector.load %arg1[%get3A_80, %get3A_81, %get3A_82, %get3A_83] : memref<2x1x1024x128xf32, #tpu.memory_space<vmem>>, vector<1x1x512x128xf32>
    %get3A_85 = vector.shape_cast %get3A_84 : vector<1x1x512x128xf32> to vector<512x128xf32>
    %add3A_86 = arith.addf %get3A_79, %get3A_85 : vector<512x128xf32>
    %convert_element_type3A_87 = arith.truncf %add3A_86 : vector<512x128xf32> to vector<512x128xbf16>
    %get3A_88 = arith.constant 512 : index
    %get3A_89 = arith.constant 0 : index
    %get3A_90 = vector.load %arg13[%get3A_88, %get3A_89] : memref<1024x512xbf16, #tpu.memory_space<vmem>>, vector<512x512xbf16>
    %get3A_91 = arith.constant 512 : index
    %get3A_92 = arith.constant 0 : index
    %get3A_93 = vector.load %arg14[%get3A_91, %get3A_92] : memref<1024x512xf32, #tpu.memory_space<vmem>>, vector<512x512xf32>
    %get3A_94 = arith.constant 0 : index
    %get3A_95 = arith.constant 0 : index
    %get3A_96 = vector.load %arg2[%get3A_94, %get3A_95] : memref<2048x128xbf16, #tpu.memory_space<vmem>>, vector<2048x128xbf16>
    %dot_general3A_97 = arith.constant dense<0.000000e+00> : vector<512x2048xf32>
    %dot_general3A_98 = tpu.matmul %convert_element_type3A_87, %get3A_96, %dot_general3A_97 {dimension_numbers = #tpu.dot_dimension_numbers<[1], [1], [0], [0], [0, 0, 1, 0], [], []>, transpose_lhs_hint = false} : vector<512x128xbf16>, vector<2048x128xbf16>, vector<512x2048xf32> -> vector<512x2048xf32>
    %get3A_99 = arith.constant 0 : index
    %get3A_100 = arith.constant 0 : index
    %get3A_101 = vector.load %arg3[%get3A_99, %get3A_100] : memref<2048x512xbf16, #tpu.memory_space<vmem>>, vector<2048x512xbf16>
    %dot_general3A_102 = arith.constant dense<0.000000e+00> : vector<512x2048xf32>
    %dot_general3A_103 = tpu.matmul %get3A_90, %get3A_101, %dot_general3A_102 {dimension_numbers = #tpu.dot_dimension_numbers<[1], [1], [0], [0], [0, 0, 1, 0], [], []>, transpose_lhs_hint = false} : vector<512x512xbf16>, vector<2048x512xbf16>, vector<512x2048xf32> -> vector<512x2048xf32>
    %add3A_104 = arith.addf %dot_general3A_98, %dot_general3A_103 : vector<512x2048xf32>
    %get3A_105 = arith.constant 0 : index
    %get3A_106 = arith.constant 0 : index
    %get3A_107 = vector.load %arg4[%get3A_105, %get3A_106] : memref<1x2048xf32, #tpu.memory_space<vmem>>, vector<1x2048xf32>
    %add3A_108 = vector.broadcast %get3A_107 : vector<1x2048xf32> to vector<512x2048xf32>
    %add3A_109 = arith.addf %add3A_104, %add3A_108 : vector<512x2048xf32>
    %slice3A_110 = vector.extract_strided_slice %add3A_109 {offsets = [0, 0], sizes = [512, 1024], strides = [1, 1]} : vector<512x2048xf32> to vector<512x1024xf32>
    %mul3A_111 = arith.constant 5.000000e-01 : f32
    %mul3A_112 = vector.broadcast %mul3A_111 : f32 to vector<512x1024xf32>
    %mul3A_113 = arith.mulf %slice3A_110, %mul3A_112 : vector<512x1024xf32>
    %tanh3A_114 = math.tanh %mul3A_113 : vector<512x1024xf32>
    %mul3A_115 = arith.constant 5.000000e-01 : f32
    %mul3A_116 = vector.broadcast %mul3A_115 : f32 to vector<512x1024xf32>
    %mul3A_117 = arith.mulf %tanh3A_114, %mul3A_116 : vector<512x1024xf32>
    %add3A_118 = arith.constant 5.000000e-01 : f32
    %add3A_119 = vector.broadcast %add3A_118 : f32 to vector<512x1024xf32>
    %add3A_120 = arith.addf %mul3A_117, %add3A_119 : vector<512x1024xf32>
    %slice3A_121 = vector.extract_strided_slice %add3A_109 {offsets = [0, 1024], sizes = [512, 512], strides = [1, 1]} : vector<512x2048xf32> to vector<512x512xf32>
    %tanh3A_122 = math.tanh %slice3A_121 : vector<512x512xf32>
    %slice3A_123 = vector.extract_strided_slice %add3A_109 {offsets = [0, 1536], sizes = [512, 512], strides = [1, 1]} : vector<512x2048xf32> to vector<512x512xf32>
    %mul3A_124 = arith.constant 5.000000e-01 : f32
    %mul3A_125 = vector.broadcast %mul3A_124 : f32 to vector<512x512xf32>
    %mul3A_126 = arith.mulf %slice3A_123, %mul3A_125 : vector<512x512xf32>
    %tanh3A_127 = math.tanh %mul3A_126 : vector<512x512xf32>
    %mul3A_128 = arith.constant 5.000000e-01 : f32
    %mul3A_129 = vector.broadcast %mul3A_128 : f32 to vector<512x512xf32>
    %mul3A_130 = arith.mulf %tanh3A_127, %mul3A_129 : vector<512x512xf32>
    %add3A_131 = arith.constant 5.000000e-01 : f32
    %add3A_132 = vector.broadcast %add3A_131 : f32 to vector<512x512xf32>
    %add3A_133 = arith.addf %mul3A_130, %add3A_132 : vector<512x512xf32>
    %slice3A_134 = vector.extract_strided_slice %add3A_120 {offsets = [0, 512], sizes = [512, 512], strides = [1, 1]} : vector<512x1024xf32> to vector<512x512xf32>
    %mul3A_135 = arith.mulf %slice3A_134, %get3A_93 : vector<512x512xf32>
    %slice3A_136 = vector.extract_strided_slice %add3A_120 {offsets = [0, 0], sizes = [512, 512], strides = [1, 1]} : vector<512x1024xf32> to vector<512x512xf32>
    %mul3A_137 = arith.mulf %slice3A_136, %tanh3A_122 : vector<512x512xf32>
    %add3A_138 = arith.addf %mul3A_135, %mul3A_137 : vector<512x512xf32>
    %tanh3A_139 = math.tanh %add3A_138 : vector<512x512xf32>
    %mul3A_140 = arith.mulf %add3A_133, %tanh3A_139 : vector<512x512xf32>
    %convert_element_type3A_141 = arith.truncf %mul3A_140 : vector<512x512xf32> to vector<512x512xbf16>
    %swap3A_142 = arith.constant 512 : index
    %swap3A_143 = arith.constant 0 : index
    %swap3A_144 = vector.load %arg13[%swap3A_142, %swap3A_143] : memref<1024x512xbf16, #tpu.memory_space<vmem>>, vector<512x512xbf16>
    tpu.vector_store %arg13[%swap3A_142, %swap3A_143], %convert_element_type3A_141 {strides = array<i32>} : memref<1024x512xbf16, #tpu.memory_space<vmem>>, vector<512x512xbf16>,
    %swap3A_145 = arith.constant 512 : index
    %swap3A_146 = arith.constant 0 : index
    %swap3A_147 = vector.load %arg14[%swap3A_145, %swap3A_146] : memref<1024x512xf32, #tpu.memory_space<vmem>>, vector<512x512xf32>
    tpu.vector_store %arg14[%swap3A_145, %swap3A_146], %add3A_138 {strides = array<i32>} : memref<1024x512xf32, #tpu.memory_space<vmem>>, vector<512x512xf32>,
    %eq3A_148 = arith.constant 19 : i32
    %eq3A_149 = arith.cmpi eq, %arg0, %eq3A_148 : i32
    %convert_element_type3A_150 = arith.extui %eq3A_149 : i1 to i32
    %cond3A_151 = arith.constant 0 : i32
    %cond3A_152 = arith.cmpi ne, %convert_element_type3A_150, %cond3A_151 : i32
    scf.if %cond3A_152 {
      %swap3A_206 = arith.constant 0 : index
      %swap3A_207 = arith.constant 512 : index
      %swap3A_208 = arith.constant 0 : index
      %swap3A_209 = vector.load %arg11[%swap3A_206, %swap3A_207, %swap3A_208] : memref<1x1024x512xf32, #tpu.memory_space<vmem>>, vector<1x512x512xf32>
      %swap3A_210 = vector.shape_cast %swap3A_209 : vector<1x512x512xf32> to vector<512x512xf32>
      %swap3A_211 = vector.shape_cast %mul3A_140 : vector<512x512xf32> to vector<1x512x512xf32>
      tpu.vector_store %arg11[%swap3A_206, %swap3A_207, %swap3A_208], %swap3A_211 {strides = array<i32>} : memref<1x1024x512xf32, #tpu.memory_space<vmem>>, vector<1x512x512xf32>,
      %swap3A_212 = arith.constant 0 : index
      %swap3A_213 = arith.constant 512 : index
      %swap3A_214 = arith.constant 0 : index
      %swap3A_215 = vector.load %arg12[%swap3A_212, %swap3A_213, %swap3A_214] : memref<1x1024x512xf32, #tpu.memory_space<vmem>>, vector<1x512x512xf32>
      %swap3A_216 = vector.shape_cast %swap3A_215 : vector<1x512x512xf32> to vector<512x512xf32>
      %swap3A_217 = vector.shape_cast %add3A_138 : vector<512x512xf32> to vector<1x512x512xf32>
      tpu.vector_store %arg12[%swap3A_212, %swap3A_213, %swap3A_214], %swap3A_217 {strides = array<i32>} : memref<1x1024x512xf32, #tpu.memory_space<vmem>>, vector<1x512x512xf32>,
    } else {
    }
    %get3A_153 = arith.constant 0 : index
    %get3A_154 = arith.constant 0 : index
    %get3A_155 = vector.load %arg13[%get3A_153, %get3A_154] : memref<1024x512xbf16, #tpu.memory_space<vmem>>, vector<1024x512xbf16>
    %get3A_156 = arith.constant 0 : index
    %get3A_157 = arith.constant 0 : index
    %get3A_158 = vector.load %arg5[%get3A_156, %get3A_157] : memref<1000x512xbf16, #tpu.memory_space<vmem>>, vector<1000x512xbf16>
    %dot_general3A_159 = arith.constant dense<0.000000e+00> : vector<1000x1024xf32>
    %dot_general3A_160 = tpu.matmul %get3A_158, %get3A_155, %dot_general3A_159 {dimension_numbers = #tpu.dot_dimension_numbers<[1], [1], [0], [0], [0, 0, 1, 0], [], []>, transpose_lhs_hint = false} : vector<1000x512xbf16>, vector<1024x512xbf16>, vector<1000x1024xf32> -> vector<1000x1024xf32>
    %get3A_161 = arith.constant 0 : index
    %get3A_162 = arith.constant 0 : index
    %get3A_163 = vector.load %arg6[%get3A_161, %get3A_162] : memref<1000x1xf32, #tpu.memory_space<vmem>>, vector<1000x1xf32>
    %add3A_164 = vector.broadcast %get3A_163 : vector<1000x1xf32> to vector<1000x1024xf32>
    %add3A_165 = arith.addf %dot_general3A_160, %add3A_164 : vector<1000x1024xf32>
    %reduce_max3A = arith.constant dense<0xFF800000> : vector<1024xf32>
    %reduce_max3A_166 = vector.multi_reduction <maximumf>, %add3A_165, %reduce_max3A [0] : vector<1000x1024xf32> to vector<1024xf32>
    %broadcast_in_dim3A = vector.shape_cast %reduce_max3A_166 : vector<1024xf32> to vector<1x1024xf32>
    %sub3A = vector.broadcast %broadcast_in_dim3A : vector<1x1024xf32> to vector<1000x1024xf32>
    %sub3A_167 = arith.subf %add3A_165, %sub3A : vector<1000x1024xf32>
    %exp3A = math.exp %sub3A_167 : vector<1000x1024xf32>
    %reduce_sum3A = arith.constant dense<0.000000e+00> : vector<1024xf32>
    %reduce_sum3A_168 = vector.multi_reduction <add>, %exp3A, %reduce_sum3A [0] : vector<1000x1024xf32> to vector<1024xf32>
    %broadcast_in_dim3A_169 = vector.shape_cast %reduce_sum3A_168 : vector<1024xf32> to vector<1x1024xf32>
    %log3A = math.log %broadcast_in_dim3A_169 : vector<1x1024xf32>
    %sub3A_170 = vector.broadcast %log3A : vector<1x1024xf32> to vector<1000x1024xf32>
    %sub3A_171 = arith.subf %sub3A_167, %sub3A_170 : vector<1000x1024xf32>
    %swap3A_172 = arith.constant 0 : index
    %swap3A_173 = arith.constant 0 : index
    %swap3A_174 = arith.constant 0 : index
    %swap3A_175 = vector.load %arg9[%swap3A_172, %swap3A_173, %swap3A_174] : memref<1x1000x1024xf32, #tpu.memory_space<vmem>>, vector<1x1000x1024xf32>
    %swap3A_176 = vector.shape_cast %swap3A_175 : vector<1x1000x1024xf32> to vector<1000x1024xf32>
    %swap3A_177 = vector.shape_cast %sub3A_171 : vector<1000x1024xf32> to vector<1x1000x1024xf32>
    tpu.vector_store %arg9[%swap3A_172, %swap3A_173, %swap3A_174], %swap3A_177 {strides = array<i32>} : memref<1x1000x1024xf32, #tpu.memory_space<vmem>>, vector<1x1000x1024xf32>,
    %get3A_178 = arith.constant 0 : index
    %get3A_179 = arith.constant 0 : index
    %get3A_180 = vector.load %arg7[%get3A_178, %get3A_179] : memref<128x512xbf16, #tpu.memory_space<vmem>>, vector<128x512xbf16>
    %dot_general3A_181 = arith.constant dense<0.000000e+00> : vector<128x1024xf32>
    %dot_general3A_182 = tpu.matmul %get3A_180, %get3A_155, %dot_general3A_181 {dimension_numbers = #tpu.dot_dimension_numbers<[1], [1], [0], [0], [0, 0, 1, 0], [], []>, transpose_lhs_hint = false} : vector<128x512xbf16>, vector<1024x512xbf16>, vector<128x1024xf32> -> vector<128x1024xf32>
    %get3A_183 = arith.constant 0 : index
    %get3A_184 = arith.constant 0 : index
    %get3A_185 = vector.load %arg8[%get3A_183, %get3A_184] : memref<128x1xf32, #tpu.memory_space<vmem>>, vector<128x1xf32>
    %add3A_186 = vector.broadcast %get3A_185 : vector<128x1xf32> to vector<128x1024xf32>
    %add3A_187 = arith.addf %dot_general3A_182, %add3A_186 : vector<128x1024xf32>
    %reduce_max3A_188 = arith.constant dense<0xFF800000> : vector<1024xf32>
    %reduce_max3A_189 = vector.multi_reduction <maximumf>, %add3A_187, %reduce_max3A_188 [0] : vector<128x1024xf32> to vector<1024xf32>
    %broadcast_in_dim3A_190 = vector.shape_cast %reduce_max3A_189 : vector<1024xf32> to vector<1x1024xf32>
    %sub3A_191 = vector.broadcast %broadcast_in_dim3A_190 : vector<1x1024xf32> to vector<128x1024xf32>
    %sub3A_192 = arith.subf %add3A_187, %sub3A_191 : vector<128x1024xf32>
    %exp3A_193 = math.exp %sub3A_192 : vector<128x1024xf32>
    %reduce_sum3A_194 = arith.constant dense<0.000000e+00> : vector<1024xf32>
    %reduce_sum3A_195 = vector.multi_reduction <add>, %exp3A_193, %reduce_sum3A_194 [0] : vector<128x1024xf32> to vector<1024xf32>
    %broadcast_in_dim3A_196 = vector.shape_cast %reduce_sum3A_195 : vector<1024xf32> to vector<1x1024xf32>
    %log3A_197 = math.log %broadcast_in_dim3A_196 : vector<1x1024xf32>
    %sub3A_198 = vector.broadcast %log3A_197 : vector<1x1024xf32> to vector<128x1024xf32>
    %sub3A_199 = arith.subf %sub3A_192, %sub3A_198 : vector<128x1024xf32>
    %swap3A_200 = arith.constant 0 : index
    %swap3A_201 = arith.constant 0 : index
    %swap3A_202 = arith.constant 0 : index
    %swap3A_203 = vector.load %arg10[%swap3A_200, %swap3A_201, %swap3A_202] : memref<1x128x1024xf32, #tpu.memory_space<vmem>>, vector<1x128x1024xf32>
    %swap3A_204 = vector.shape_cast %swap3A_203 : vector<1x128x1024xf32> to vector<128x1024xf32>
    %swap3A_205 = vector.shape_cast %sub3A_199 : vector<128x1024xf32> to vector<1x128x1024xf32>
    tpu.vector_store %arg10[%swap3A_200, %swap3A_201, %swap3A_202], %swap3A_205 {strides = array<i32>} : memref<1x128x1024xf32, #tpu.memory_space<vmem>>, vector<1x128x1024xf32>,
    return
  }
  func.func @transform_0(%arg0: i32) -> (i32, i32, i32, i32) {
    %c0_i32 = arith.constant 0 : i32
    %c0_i32_0 = arith.constant 0 : i32
    %c0_i32_1 = arith.constant 0 : i32
    %c0_i32_2 = arith.constant 0 : i32
    return %c0_i32, %arg0, %c0_i32_0, %c0_i32_1 : i32, i32, i32, i32
  }
  func.func @transform_1(%arg0: i32) -> (i32, i32) {
    %c0_i32 = arith.constant 0 : i32
    %c0_i32_0 = arith.constant 0 : i32
    %c0_i32_1 = arith.constant 0 : i32
    return %c0_i32, %c0_i32_0 : i32, i32
  }
  func.func @transform_2(%arg0: i32) -> (i32, i32) {
    %c0_i32 = arith.constant 0 : i32
    %c0_i32_0 = arith.constant 0 : i32
    %c0_i32_1 = arith.constant 0 : i32
    return %c0_i32, %c0_i32_0 : i32, i32
  }
  func.func @transform_3(%arg0: i32) -> (i32, i32) {
    %c0_i32 = arith.constant 0 : i32
    %c0_i32_0 = arith.constant 0 : i32
    %c0_i32_1 = arith.constant 0 : i32
    return %c0_i32, %c0_i32_0 : i32, i32
  }
  func.func @transform_4(%arg0: i32) -> (i32, i32) {
    %c0_i32 = arith.constant 0 : i32
    %c0_i32_0 = arith.constant 0 : i32
    %c0_i32_1 = arith.constant 0 : i32
    return %c0_i32, %c0_i32_0 : i32, i32
  }
  func.func @transform_5(%arg0: i32) -> (i32, i32) {
    %c0_i32 = arith.constant 0 : i32
    %c0_i32_0 = arith.constant 0 : i32
    %c0_i32_1 = arith.constant 0 : i32
    return %c0_i32, %c0_i32_0 : i32, i32
  }
  func.func @transform_6(%arg0: i32) -> (i32, i32) {
    %c0_i32 = arith.constant 0 : i32
    %c0_i32_0 = arith.constant 0 : i32
    %c0_i32_1 = arith.constant 0 : i32
    return %c0_i32, %c0_i32_0 : i32, i32
  }
  func.func @transform_7(%arg0: i32) -> (i32, i32) {
    %c0_i32 = arith.constant 0 : i32
    %c0_i32_0 = arith.constant 0 : i32
    %c0_i32_1 = arith.constant 0 : i32
    return %c0_i32, %c0_i32_0 : i32, i32
  }
  func.func @transform_8(%arg0: i32) -> (i32, i32, i32) {
    %c0_i32 = arith.constant 0 : i32
    %c0_i32_0 = arith.constant 0 : i32
    %c0_i32_1 = arith.constant 0 : i32
    return %arg0, %c0_i32, %c0_i32_0 : i32, i32, i32
  }
  func.func @transform_9(%arg0: i32) -> (i32, i32, i32) {
    %c0_i32 = arith.constant 0 : i32
    %c0_i32_0 = arith.constant 0 : i32
    %c0_i32_1 = arith.constant 0 : i32
    return %arg0, %c0_i32, %c0_i32_0 : i32, i32, i32
  }
  func.func @transform_10(%arg0: i32) -> (i32, i32, i32) {
    %c0_i32 = arith.constant 0 : i32
    %c0_i32_0 = arith.constant 0 : i32
    %c0_i32_1 = arith.constant 0 : i32
    %c0_i32_2 = arith.constant 0 : i32
    return %c0_i32, %c0_i32_0, %c0_i32_1 : i32, i32, i32
  }
  func.func @transform_11(%arg0: i32) -> (i32, i32, i32) {
    %c0_i32 = arith.constant 0 : i32
    %c0_i32_0 = arith.constant 0 : i32
    %c0_i32_1 = arith.constant 0 : i32
    %c0_i32_2 = arith.constant 0 : i32
    return %c0_i32, %c0_i32_0, %c0_i32_1 : i32, i32, i32
  }
}

</mosaic_0001>

<sc_bundles>
// kernel: kernel.4.cloned.1.call-start
scs
__scs_entry_jumppad:
0x0: {  	(pc) =	sbr.rel $0x88, $3  }
0x1: {  	(tag) =	ssettag $0x0;
	lr =	simm.s32 $0x1  }
0x2: {  	[smem:$0x3F96] =	sst lr;
	_ =	strace $0xD0000000  }
0x3: {  	_ = 	snop  }
0x4: {  	_ = 	snop  }
0x5: {  	_ = 	snop  }
0x6: {  	_ = 	snop  }
0x7: {  	_ = 	snop  }
__scs_overlays_trampoline_lowered:
0x8: {  	[smem:$0x3FA5] =	sst s0  }
0x9: {  	[smem:$0x3FA6] =	sst s1  }
0xa: {  	[smem:$0x3FA7] =	sst s2  }
0xb: {  	[smem:$0x3FA8] =	sst s3  }
0xc: {  	[smem:$0x3FA9] =	sst s4  }
0xd: {  	[smem:$0x3FAA] =	sst s5  }
0xe: {  	[smem:$0x3FAB] =	sst s6  }
0xf: {  	[smem:$0x3FAC] =	sst s7  }
0x10: {  	[smem:$0x3FAD] =	sst s8  }
0x11: {  	[smem:$0x3FAE] =	sst s9;
	s0 =	simm.s32 @!p0 $0x0  }
0x12: {  	s1 =	sld [smem:$0x3F94];
	s0 =	simm.s32 @p0 $0x1  }
0x13: {  	[smem:$0x3FAF] =	sst s0;
	s0 =	simm.s32 @!p1 $0x0  }
0x14: {  	s2 =	sld [smem:$0x3F93];
	s0 =	simm.s32 @p1 $0x1  }
0x15: {  	[smem:$0x3FB0] =	sst s0;
	s0 =	simm.s32 @!p2 $0x0  }
0x16: {  	s3 =	sld [smem:$0x3FDB];
	s0 =	simm.s32 @p2 $0x1  }
0x17: {  	s4 =	simm.s32 $0x1BF5;
	[smem:$0x3FB2] =	sst s0  }
0x18: {  	s0 =	sld [smem:$0x3F95];
	_ =	swait.ge [sflag:s4], $0x0  }
0x19: {  	s7 =	sld [smem:$0x3F96]  }
0x1a: {  	s8 =	sadd.s32 $0xFFFFE003, lr  }
0x1b: {  	s9 =	sadd.s32 $0xFFFFFEF7, lr;
	s5 =	simm.s32 $0xFFFFFFFF;
	p2 =	slt.u32 s8, $0xFFFFF086  }
0x1c: {  	p1 =	slt.u32 s9, $0xF7A;
	s5 =	simm.s32 @!p2 $0x0  }
0x1d: {  	s5 =	simm.s32 @p1 $0x1;
	p0 =	seq.s32 s7, s2  }
0x1e: {  	s7 =	smul.u32 @!p0 $0xF7A, s2;
	p2 =	seq.s32 @!p0 s5, $0x0  }
0x1f: {  	s9 =	smul.u32 $0xF7A, s1;
	s8 =	simm.s32 @!p0 $0x1BF5;
	p2 =	por !p2, p0  }
0x20: {  	[sflag:s8] =	ssyncset.s32 @!p0 $0xFFFFF086;
	s6 =	sadd.s32 @!p0 s3, s7;
	s7 =	simm.s32 @!p0 $0x108  }
0x21: {  	s3 =	sadd.s32 s3, s9;
	s6 =	sadd.s32 @!p0 $0x88, s6;
	s7 =	simm.s32 @p2 $0x1082  }
0x22: {  	[simem:s7], [sflag:s8] =	dma.local @!p0 [hbm:s6], $0xF7A  }
0x23: {  	s9 =	sor.u32 $0xD0000000, s2;
	s6 =	simm.s32 $0x108;
	_ =	swait.ge @!p0 [sflag:s8], $0x0  }
0x24: {  	s3 =	sadd.s32 $0x88, s3;
	s6 =	simm.s32 @!p1 $0x1082;
	[sflag:s4] =	ssyncset.s32 $0xFFFFF086  }
0x25: {  	[simem:s6], [sflag:s4] =	dma.local [hbm:s3], $0xF7A  }
0x26: {  	[smem:$0x3F96] =	sst s1;
	(tag) =	ssettag s2;
	_ =	strace s9  }
0x27: {  	s1 =	sld [smem:$0x3FA6]  }
0x28: {  	s2 =	sld [smem:$0x3FA7]  }
0x29: {  	s4 =	sld [smem:$0x3FA9]  }
0x2a: {  	p0 =	seq.s32 s5, $0x0;
	s5 =	sld [smem:$0x3FAA]  }
0x2b: {  	s6 =	sld [smem:$0x3FAB]  }
0x2c: {  	s7 =	sld [smem:$0x3FAC]  }
0x2d: {  	s3 =	simm.s32 $0x108;
	s8 =	sld [smem:$0x3FAD]  }
0x2e: {  	s3 =	simm.s32 @!p0 $0x1082;
	s9 =	sld [smem:$0x3FAE]  }
0x2f: {  	lr =	sadd.s32 s0, s3;
	s0 =	sld [smem:$0x3FA5]  }
0x30: {  	s3 =	sld [smem:$0x3FA8]  }
0x31: {  	[smem:$0x3FB1] =	sst s10  }
0x32: {  	s10 =	sld [smem:$0x3FAF];
	_ =	sdelay $0x3  }
0x33: {  	p0 =	seq.s32 s10, $0x1;
	s10 =	sld [smem:$0x3FB1];
	_ =	sdelay $0x3  }
0x34: {  	[smem:$0x3FB1] =	sst s10  }
0x35: {  	s10 =	sld [smem:$0x3FB0];
	_ =	sdelay $0x3  }
0x36: {  	p1 =	seq.s32 s10, $0x1;
	s10 =	sld [smem:$0x3FB1];
	_ =	sdelay $0x3  }
0x37: {  	[smem:$0x3FB1] =	sst s10  }
0x38: {  	s10 =	sld [smem:$0x3FB2]  }
0x39: {  	_ = 	snop;
	(pc) =	sbr.ind lr, $3  }
0x3a: {  	_ = 	snop  }
0x3b: {  	_ = 	snop  }
0x3c: {  	p2 =	seq.s32 s10, $0x1;
	s10 =	sld [smem:$0x3FB1]  }
0x3d: {  	_ =	shalt  }
0x3e: {  	_ =	shalt  }
0x3f: {  	_ =	shalt  }
0x40: {  	_ =	shalt  }
0x41: {  	_ =	shalt  }
0x42: {  	_ =	shalt  }
0x43: {  	_ =	shalt  }
0x44: {  	_ =	shalt  }
0x45: {  	_ =	shalt  }
0x46: {  	_ =	shalt  }
0x47: {  	_ =	shalt  }
0x48: {  	_ =	shalt  }
0x49: {  	_ =	shalt  }
0x4a: {  	_ =	shalt  }
0x4b: {  	_ =	shalt  }
0x4c: {  	_ =	shalt  }
0x4d: {  	_ =	shalt  }
0x4e: {  	_ =	shalt  }
0x4f: {  	_ =	shalt  }
0x50: {  	_ =	shalt  }
0x51: {  	_ =	shalt  }
0x52: {  	_ =	shalt  }
0x53: {  	_ =	shalt  }
0x54: {  	_ =	shalt  }
0x55: {  	_ =	shalt  }
0x56: {  	_ =	shalt  }
0x57: {  	_ =	shalt  }
0x58: {  	_ =	shalt  }
0x59: {  	_ =	shalt  }
0x5a: {  	_ =	shalt  }
0x5b: {  	_ =	shalt  }
0x5c: {  	_ =	shalt  }
0x5d: {  	_ =	shalt  }
0x5e: {  	_ =	shalt  }
0x5f: {  	_ =	shalt  }
0x60: {  	_ =	shalt  }
0x61: {  	_ =	shalt  }
0x62: {  	_ =	shalt  }
0x63: {  	_ =	shalt  }
0x64: {  	_ =	shalt  }
0x65: {  	_ =	shalt  }
0x66: {  	_ =	shalt  }
0x67: {  	_ =	shalt  }
0x68: {  	_ =	shalt  }
0x69: {  	_ =	shalt  }
0x6a: {  	_ =	shalt  }
0x6b: {  	_ =	shalt  }
0x6c: {  	_ =	shalt  }
0x6d: {  	_ =	shalt  }
0x6e: {  	_ =	shalt  }
0x6f: {  	_ =	shalt  }
0x70: {  	_ =	shalt  }
0x71: {  	_ =	shalt  }
0x72: {  	_ =	shalt  }
0x73: {  	_ =	shalt  }
0x74: {  	_ =	shalt  }
0x75: {  	_ =	shalt  }
0x76: {  	_ =	shalt  }
0x77: {  	_ =	shalt  }
0x78: {  	_ =	shalt  }
0x79: {  	_ =	shalt  }
0x7a: {  	_ =	shalt  }
0x7b: {  	_ =	shalt  }
0x7c: {  	_ =	shalt  }
0x7d: {  	_ =	shalt  }
0x7e: {  	_ =	shalt  }
0x7f: {  	_ =	shalt  }
0x80: {  	_ =	shalt  }
0x81: {  	_ =	shalt  }
0x82: {  	_ =	shalt  }
0x83: {  	_ =	shalt  }
0x84: {  	_ =	shalt  }
0x85: {  	_ =	shalt  }
0x86: {  	_ =	shalt  }
0x87: {  	_ =	shalt  }
.Lfunc_end0:
.L_simem_size_0:
called_computation_lowered:
.L_overlay_start_0:
0x88: {  	s2 =	sld [smem:$0x3FD9]  }
0x89: {  	s3 =	sld [smem:$0x3FFE];
	_ =	sdelay $0x1  }
0x8a: {  	s1 =	srdreg.scid  }
0x8b: {  	s0 =	sand.u32 $0x1, s1  }
0x8c: {  	s14 =	sshll.u32 s0, $0xA;
	s2 =	sadd.s32 s3, s2  }
0x8d: {  	s2 =	sadd.s32 s2, s14  }
0x8e: {  	[smem:$0x3FBD] =	sst s2  }
0x8f: {  	_ = 	snop  }
0x90: {  	s2 =	sld [smem:$0x3FD0];
	_ =	sdelay $0x2  }
0x91: {  	s15 =	simm.s32 $0xA;
	s4 =	simm.s32 $0x10  }
0x92: {  	[smem:s4], [sflag:s15] =	dma.local [hbm:s2], $0x1  }
0x93: {  	_ =	swait.eq [sflag:s15], $0x1  }
0x94: {  	[sflag:s15] =	ssyncset.done $0x0  }
0x95: {  	s16 =	sld [smem:$0x12];
	[sflag:s15] =	ssyncadd.s32 $0xFFFFFFFF  }
0x96: {  	s17 =	sld [smem:$0x13];
	(tm) =	ssettm $0x1  }
0x97: {  	s18 =	sld [smem:$0x3FFB];
	_ =	sdelay $0x3  }
0x98: {  	_ =	strace s18  }
0x99: {  	s4 =	sld [smem:$0x3FFC];
	_ =	sdelay $0x3  }
0x9a: {  	_ =	strace s4  }
0x9b: {  	s4 =	sld [smem:$0x3FFD];
	_ =	sdelay $0x3  }
0x9c: {  	_ =	strace s4  }
0x9d: {  	_ =	strace $0x8FFFFFFF  }
0x9e: {  	s19 =	sld [smem:$0x3FDB];
	_ =	sdelay $0x1  }
0x9f: {  	s5 =	simm.s32 $_scs_section_size  }
0xa0: {  	s6 =	simm.s32 $_size__tile_overlayer_lowered;
	s7 =	simm.s32 $_tile_overlayer_lowered  }
0xa1: {  	s22 =	simm.s32 $0x1BFF;
	s21 =	sshll.u32 s7, $0x1;
	s4 =	sadd.s32 s5, s19  }
0xa2: {  	s8 =	simm.s32 $0x0;
	s20 =	sshll.u32 s6, $0x1;
	s6 =	sadd.s32 s21, s4  }
0xa3: {  	[timem:s8], [sflag:s22] =	dma.local [hbm:s6], s20  }
0xa4: {  	_ =	swait.ge [sflag:s22], s20  }
0xa5: {  	s5 =	ssub.s32 $0x0, s20;
	[sflag:s22] =	ssyncset.done $0x0  }
0xa6: {  	[sflag:s22] =	ssyncadd.s32 s5;
	_ =	sdelay $0x1  }
0xa7: {  	s23 =	simm.s32 $0x1B8B  }
0xa8: {  	_ =	swait.ge [sflag:s23], $0x1  }
0xa9: {  	[sflag:s23] =	ssyncset.done $0x0  }
0xaa: {  	s25 =	simm.s32 $0x1B8E;
	s24 =	sld [smem:$0x3FFE];
	[sflag:s23] =	ssyncadd.s32 $0xFFFFFFFF  }
0xab: {  	s26 =	simm.s32 $execute0_lowered;
	[smem:$0x3FD2] =	sst s25  }
0xac: {  	s6 =	sshll.u32 s26, $0x1;
	_ =	strace $0x80000046;
	[dreg:$0x1] =	wrdreg $0xFFFFFFFF  }
0xad: {  	s28 =	simm.s32 $_size_execute0_lowered;
	s4 =	sadd.s32 s4, s6;
	[dreg:$0x0] =	wrdreg $0x0  }
0xae: {  	s6 =	sshll.u32 s28, $0x1;
	[dreg:$0x2] =	wrdreg s4  }
0xaf: {  	[dreg:$0x3] =	wrdreg s6  }
0xb0: {  	[dreg:$0x4] =	wrdreg $0xC0  }
0xb1: {  	_ =	task [dreg:s8], $0x5FFFF  }
0xb2: {  	[dreg:$0x1] =	wrdreg $0xFFFFFFFF  }
0xb3: {  	[dreg:$0x0] =	wrdreg $0x60  }
0xb4: {  	[dreg:$0x2] =	wrdreg s17  }
0xb5: {  	[dreg:$0x3] =	wrdreg s16  }
0xb6: {  	[dreg:$0x4] =	wrdreg s24  }
0xb7: {  	[dreg:$0x5] =	wrdreg $0x9  }
0xb8: {  	_ =	task.clear_ibuf [dreg:s8], $0x6FFFF;
	_ =	strace $0x90000046  }
0xb9: {  	s29 =	simm.s32 $0x9;
	_ =	strace $0x80000048  }
0xba: {  	_ =	swait.ge [sflag:s29], $0x1  }
0xbb: {  	[sflag:s29] =	ssyncadd.s32 $0xFFFFFFFF  }
0xbc: {  	_ =	strace $0x90000048  }
0xbd: {  	_ =	sfence  }
0xbe: {  	s30 =	sld [smem:$0x0];
	_ =	sdelay $0x2  }
0xbf: {  	s31 =	sshll.u32 s1, $0xD;
	s1 =	sshrl.u32 s1, $0x2  }
0xc0: {  	s3 =	sand.u32 $0x4000, s31;
	s1 =	sadd.s32 s1, s30  }
0xc1: {  	s0 =	sor.u32 s3, s0;
	s1 =	sshll.u32 s1, $0x11  }
0xc2: {  	s0 =	sor.u32 s1, s0  }
0xc3: {  	s0 =	sadd.s32 $0x8F2B, s0  }
0xc4: {  	[sflag:s0] =	ssyncadd.remote.s32 $0x1  }
0xc5: {  	_ =	sfence.sel $0xFFFF  }
0xc6: {  	[dreg:$0x0] =	wrdreg $0xFFFFFFFF;
	(pc) =	sbr.abs _section_cstart, $3  }
0xc7: {  	[dreg:$0x1] =	wrdreg $0xFFFFFFFF  }
0xc8: {  	_ =	task.clear_ibuf [dreg:s8], $0x2FFFF;
	_ =	strace $0x9FFFFFFF  }
0xc9: {  	(tm) =	ssettm $0x7FFFFFFF  }
tec
execute0_lowered:
.L_overlay_start_1:
0x0: {  	(tag) =	ssettag $0x1  }
0x1: {  	s2 =	rddreg [dreg:$0x0]  }
0x2: {  	s4 =	rddreg [dreg:$0x1]  }
0x3: {  	s1 =	srdreg.scid;
	s0 =	stileid.u32  }
0x4: {  	s16 =	rddreg [dreg:$0x2];
	s22 =	sand.u32 $0x1, s1;
	s5 =	sshll.u32 s0, $0x1  }
0x5: {  	s3 =	simm.s32 $0x0;
	s1 =	rddreg [dreg:$0x3];
	s17 =	sor.u32 s22, s5  }
0x6: {  	[smem:$0x7FF] =	sst s3;
	s5 =	sshll.u32 s17, $0x8  }
0x7: {  	_ =	strace $0x80000047;
	s5 =	sadd.s32 s4, s5;
	s4 =	simm.s32 $0x2  }
0x8: {  	[tilespmem:s3], [sflag:$0x2] =	stream.linear.gather [hbm4b:s5+s3], $0x500, $0x38;
	[tilespmem:$0x14800] =	vst v63  }
0x9: {  	_ =	swait.ge [sflag:s4], $0x500  }
0xa: {  	[sflag:s4] =	ssyncset.done $0x0  }
0xb: {  	s6 =	simm.s32 $0x80;
	s7 =	simm.s32 $0x800;
	[sflag:s4] =	ssyncadd.s32 $0xFFFFFB00  }
0xc: {  	[tilespmem:s7], [sflag:$0x1] =	stream.indirect.gather [hbm4b:s2+s6], $0x80, s3, s6, $0xb8;
	[tilespmem:$0x14800] =	vst v63  }
0xd: {  	s8 =	simm.s32 $0x4800  }
0xe: {  	[tilespmem:s8], [sflag:$0x1] =	stream.indirect.gather [hbm4b:s2+s6], $0x80, s6, s6, $0xb8;
	[tilespmem:$0x14800] =	vst v63  }
0xf: {  	s9 =	simm.s32 $0x100;
	s10 =	simm.s32 $0x8800  }
0x10: {  	[tilespmem:s10], [sflag:$0x1] =	stream.indirect.gather [hbm4b:s2+s6], $0x80, s9, s6, $0xb8;
	[tilespmem:$0x14800] =	vst v63  }
0x11: {  	s11 =	simm.s32 $0x180;
	s12 =	simm.s32 $0xC800  }
0x12: {  	[tilespmem:s12], [sflag:$0x1] =	stream.indirect.gather [hbm4b:s2+s6], $0x80, s11, s6, $0xb8;
	[tilespmem:$0x14800] =	vst v63  }
0x13: {  	s13 =	simm.s32 $0x200;
	s14 =	simm.s32 $0x10800;
	s15 =	simm.s32 $0x1  }
0x14: {  	[tilespmem:s14], [sflag:$0x1] =	stream.indirect.gather [hbm4b:s2+s6], $0x80, s13, s6, $0xb8;
	[tilespmem:$0x14800] =	vst v63  }
0x15: {  	_ =	swait.ge [sflag:s15], $0x4000  }
0x16: {  	[sflag:s15] =	ssyncset.done $0x0  }
0x17: {  	[sflag:s15] =	ssyncadd.s32 $0xFFFFC000  }
0x18: {  	_ =	swait.ge [sflag:s15], $0x4000  }
0x19: {  	[sflag:s15] =	ssyncset.done $0x0  }
0x1a: {  	[sflag:s15] =	ssyncadd.s32 $0xFFFFC000  }
0x1b: {  	_ =	swait.ge [sflag:s15], $0x4000  }
0x1c: {  	[sflag:s15] =	ssyncset.done $0x0  }
0x1d: {  	[sflag:s15] =	ssyncadd.s32 $0xFFFFC000  }
0x1e: {  	_ =	swait.ge [sflag:s15], $0x4000  }
0x1f: {  	[sflag:s15] =	ssyncset.done $0x0  }
0x20: {  	s17 =	smul.u32 $0x5000, s17;
	[sflag:s15] =	ssyncadd.s32 $0xFFFFC000  }
0x21: {  	_ =	swait.ge [sflag:s15], $0x4000  }
0x22: {  	s16 =	sadd.s32 s17, s16;
	[sflag:s15] =	ssyncset.done $0x0  }
0x23: {  	s16 =	sadd.s32 $0x1600, s16;
	[sflag:s15] =	ssyncadd.s32 $0xFFFFC000  }
0x24: {  	[hbm4b:s16+s3] =	stream.linear.scatter [tilespmem:s7], [sflag:$0x2], $0x14000, $0x38;
	[tilespmem:$0x14800] =	vst v63  }
0x25: {  	_ =	swait.ge [sflag:s4], $0x14000  }
0x26: {  	[sflag:s4] =	ssyncset.done $0x0  }
0x27: {  	s17 =	simm.s32 $0x280;
	[sflag:s4] =	ssyncadd.s32 $0xFFFEC000  }
0x28: {  	[tilespmem:s7], [sflag:$0x1] =	stream.indirect.gather [hbm4b:s2+s6], $0x80, s17, s6, $0xb8;
	[tilespmem:$0x14800] =	vst v63  }
0x29: {  	s18 =	simm.s32 $0x300  }
0x2a: {  	[tilespmem:s8], [sflag:$0x1] =	stream.indirect.gather [hbm4b:s2+s6], $0x80, s18, s6, $0xb8;
	[tilespmem:$0x14800] =	vst v63  }
0x2b: {  	s19 =	simm.s32 $0x380  }
0x2c: {  	[tilespmem:s10], [sflag:$0x1] =	stream.indirect.gather [hbm4b:s2+s6], $0x80, s19, s6, $0xb8;
	[tilespmem:$0x14800] =	vst v63  }
0x2d: {  	s20 =	simm.s32 $0x400  }
0x2e: {  	[tilespmem:s12], [sflag:$0x1] =	stream.indirect.gather [hbm4b:s2+s6], $0x80, s20, s6, $0xb8;
	[tilespmem:$0x14800] =	vst v63  }
0x2f: {  	s21 =	simm.s32 $0x480  }
0x30: {  	[tilespmem:s14], [sflag:$0x1] =	stream.indirect.gather [hbm4b:s2+s6], $0x80, s21, s6, $0xb8;
	[tilespmem:$0x14800] =	vst v63  }
0x31: {  	_ =	swait.ge [sflag:s15], $0x4000  }
0x32: {  	[sflag:s15] =	ssyncset.done $0x0  }
0x33: {  	[sflag:s15] =	ssyncadd.s32 $0xFFFFC000  }
0x34: {  	_ =	swait.ge [sflag:s15], $0x4000  }
0x35: {  	[sflag:s15] =	ssyncset.done $0x0  }
0x36: {  	[sflag:s15] =	ssyncadd.s32 $0xFFFFC000  }
0x37: {  	_ =	swait.ge [sflag:s15], $0x4000  }
0x38: {  	[sflag:s15] =	ssyncset.done $0x0  }
0x39: {  	s22 =	ssub.s32 $0x2, s22;
	[sflag:s15] =	ssyncadd.s32 $0xFFFFC000  }
0x3a: {  	s23 =	sshrl.u32 s22, $0x1;
	_ =	swait.ge [sflag:s15], $0x4000  }
0x3b: {  	s22 =	ssub.s32 s22, s23;
	[sflag:s15] =	ssyncset.done $0x0  }
0x3c: {  	s23 =	smax.u32 s22, $0x1;
	[sflag:s15] =	ssyncadd.s32 $0xFFFFC000  }
0x3d: {  	p0 =	sne.s32 s23, $0x1;
	_ =	swait.ge [sflag:s15], $0x4000  }
.Ltmp0:
0x3e: {  	[sflag:s15] =	ssyncset.done $0x0;
	(pc) =	sbr.rel @!p0 .LBB2_2-.Ltmp0, $4  }
0x3f: {  	s22 =	sadd.s32 $0x2800, s16;
	[sflag:s15] =	ssyncadd.s32 $0xFFFFC000  }
0x40: {  	[hbm4b:s22+s3] =	stream.linear.scatter [tilespmem:s7], [sflag:$0x2], $0x14000, $0x38;
	[tilespmem:$0x14800] =	vst v63  }
0x41: {  	_ =	swait.ge [sflag:s4], $0x14000  }
0x42: {  	s23 =	sadd.s32 $0xFFFFFFFF, s23;
	[sflag:s4] =	ssyncset.done $0x0  }
.LBB2_1:
0x43: {  	p0 =	sne.s32 s23, $0x1;
	s23 =	sadd.s32 $0xFFFFFFFF, s23;
	[sflag:s4] =	ssyncadd.s32 $0xFFFEC000  }
0x44: {  	[tilespmem:s3], [sflag:$0x2] =	stream.linear.gather [hbm4b:s5+s3], $0x500, $0x38;
	[tilespmem:$0x14800] =	vst v63  }
0x45: {  	_ =	swait.ge [sflag:s4], $0x500  }
0x46: {  	[sflag:s4] =	ssyncset.done $0x0  }
0x47: {  	[sflag:s4] =	ssyncadd.s32 $0xFFFFFB00  }
0x48: {  	[tilespmem:s7], [sflag:$0x1] =	stream.indirect.gather [hbm4b:s2+s6], $0x80, s3, s6, $0xb8;
	[tilespmem:$0x14800] =	vst v63  }
0x49: {  	_ = 	snop  }
0x4a: {  	[tilespmem:s8], [sflag:$0x1] =	stream.indirect.gather [hbm4b:s2+s6], $0x80, s6, s6, $0xb8;
	[tilespmem:$0x14800] =	vst v63  }
0x4b: {  	_ = 	snop  }
0x4c: {  	[tilespmem:s10], [sflag:$0x1] =	stream.indirect.gather [hbm4b:s2+s6], $0x80, s9, s6, $0xb8;
	[tilespmem:$0x14800] =	vst v63  }
0x4d: {  	_ = 	snop  }
0x4e: {  	[tilespmem:s12], [sflag:$0x1] =	stream.indirect.gather [hbm4b:s2+s6], $0x80, s11, s6, $0xb8;
	[tilespmem:$0x14800] =	vst v63  }
0x4f: {  	_ = 	snop  }
0x50: {  	[tilespmem:s14], [sflag:$0x1] =	stream.indirect.gather [hbm4b:s2+s6], $0x80, s13, s6, $0xb8;
	[tilespmem:$0x14800] =	vst v63  }
0x51: {  	_ =	swait.ge [sflag:s15], $0x4000  }
0x52: {  	[sflag:s15] =	ssyncset.done $0x0  }
0x53: {  	[sflag:s15] =	ssyncadd.s32 $0xFFFFC000  }
0x54: {  	_ =	swait.ge [sflag:s15], $0x4000  }
0x55: {  	[sflag:s15] =	ssyncset.done $0x0  }
0x56: {  	[sflag:s15] =	ssyncadd.s32 $0xFFFFC000  }
0x57: {  	_ =	swait.ge [sflag:s15], $0x4000  }
0x58: {  	[sflag:s15] =	ssyncset.done $0x0  }
0x59: {  	[sflag:s15] =	ssyncadd.s32 $0xFFFFC000  }
0x5a: {  	_ =	swait.ge [sflag:s15], $0x4000  }
0x5b: {  	[sflag:s15] =	ssyncset.done $0x0  }
0x5c: {  	[sflag:s15] =	ssyncadd.s32 $0xFFFFC000  }
0x5d: {  	_ =	swait.ge [sflag:s15], $0x4000  }
0x5e: {  	[sflag:s15] =	ssyncset.done $0x0  }
0x5f: {  	[sflag:s15] =	ssyncadd.s32 $0xFFFFC000  }
0x60: {  	[hbm4b:s16+s3] =	stream.linear.scatter [tilespmem:s7], [sflag:$0x2], $0x14000, $0x38;
	[tilespmem:$0x14800] =	vst v63  }
0x61: {  	_ =	swait.ge [sflag:s4], $0x14000  }
0x62: {  	[sflag:s4] =	ssyncset.done $0x0  }
0x63: {  	[sflag:s4] =	ssyncadd.s32 $0xFFFEC000  }
0x64: {  	[tilespmem:s7], [sflag:$0x1] =	stream.indirect.gather [hbm4b:s2+s6], $0x80, s17, s6, $0xb8;
	[tilespmem:$0x14800] =	vst v63  }
0x65: {  	_ = 	snop  }
0x66: {  	[tilespmem:s8], [sflag:$0x1] =	stream.indirect.gather [hbm4b:s2+s6], $0x80, s18, s6, $0xb8;
	[tilespmem:$0x14800] =	vst v63  }
0x67: {  	_ = 	snop  }
0x68: {  	[tilespmem:s10], [sflag:$0x1] =	stream.indirect.gather [hbm4b:s2+s6], $0x80, s19, s6, $0xb8;
	[tilespmem:$0x14800] =	vst v63  }
0x69: {  	_ = 	snop  }
0x6a: {  	[tilespmem:s12], [sflag:$0x1] =	stream.indirect.gather [hbm4b:s2+s6], $0x80, s20, s6, $0xb8;
	[tilespmem:$0x14800] =	vst v63  }
0x6b: {  	_ = 	snop  }
0x6c: {  	[tilespmem:s14], [sflag:$0x1] =	stream.indirect.gather [hbm4b:s2+s6], $0x80, s21, s6, $0xb8;
	[tilespmem:$0x14800] =	vst v63  }
0x6d: {  	_ =	swait.ge [sflag:s15], $0x4000  }
0x6e: {  	[sflag:s15] =	ssyncset.done $0x0  }
0x6f: {  	[sflag:s15] =	ssyncadd.s32 $0xFFFFC000  }
0x70: {  	_ =	swait.ge [sflag:s15], $0x4000  }
0x71: {  	[sflag:s15] =	ssyncset.done $0x0  }
0x72: {  	[sflag:s15] =	ssyncadd.s32 $0xFFFFC000  }
0x73: {  	_ =	swait.ge [sflag:s15], $0x4000  }
0x74: {  	[sflag:s15] =	ssyncset.done $0x0  }
0x75: {  	[sflag:s15] =	ssyncadd.s32 $0xFFFFC000  }
0x76: {  	_ =	swait.ge [sflag:s15], $0x4000  }
0x77: {  	[sflag:s15] =	ssyncset.done $0x0  }
0x78: {  	[sflag:s15] =	ssyncadd.s32 $0xFFFFC000  }
0x79: {  	_ =	swait.ge [sflag:s15], $0x4000  }
.Ltmp1:
0x7a: {  	[sflag:s15] =	ssyncset.done $0x0;
	(pc) =	sbr.rel @p0 .LBB2_1-.Ltmp1, $4  }
0x7b: {  	[sflag:s15] =	ssyncadd.s32 $0xFFFFC000  }
0x7c: {  	[hbm4b:s22+s3] =	stream.linear.scatter [tilespmem:s7], [sflag:$0x2], $0x14000, $0x38;
	[tilespmem:$0x14800] =	vst v63  }
0x7d: {  	_ =	swait.ge [sflag:s4], $0x14000  }
0x7e: {  	[sflag:s4] =	ssyncset.done $0x0  }
.LBB2_2:
0x7f: {  	[sflag:s4] =	ssyncadd.s32 $0xFFFEC000  }
0x80: {  	_ =	sfence.sel $0x180000  }
0x81: {  	[bflag:$0x0] =	sbarrier.arrive $0xFFFF  }
0x82: {  	p0 =	sne.s32 s0, $0x0;
	_ =	strace $0x90000047  }
0x83: {  	s0 =	sadd.s32 @!p0 $0x100000, s1;
	[bflag:$0x2] =	sbarrier.arrive $0xFFFF  }
0x84: {  	[sflag:s0] =	ssyncadd.tile.s32 @!p0 $0x1;
	_ =	shalt  }
.Lfunc_end2:
_tile_overlayer_lowered:
.L_overlay_start_2:
0x85: {  	(tag) =	ssettag $0x2  }
0x86: {  	s0 =	rddreg [dreg:$0x0];
	s2 =	stileid.u32  }
0x87: {  	s1 =	rddreg [dreg:$0x1];
	p0 =	sne.s32 s2, $0x0  }
0x88: {  	s3 =	rddreg [dreg:$0x2];
	[bflag:$0x3] =	sbarrier.arrive $0xFFFF;
	s2 =	simm.s32 @!p0 $0x1C02  }
0x89: {  	[timem:s3], [sflag:s2] =	dma.local @!p0 [hbm:s0], s1  }
0x8a: {  	s0 =	simm.s32 @!p0 $0x2  }
0x8b: {  	_ =	swait.ge @!p0 [sflag:s0], s1  }
0x8c: {  	s1 =	ssub.s32 @!p0 $0x0, s1;
	[sflag:s0] =	ssyncset.done @!p0 $0x0  }
0x8d: {  	[sflag:s0] =	ssyncadd.s32 @!p0 s1  }
0x8e: {  	[bflag:$0x3] =	sbarrier.arrive $0xFFFF  }
0x8f: {  	_ =	shalt  }

</sc_bundles>
